<compile_context>
chip_gen: v7x
topology: tpu7x:2x2x1
jax: 0.10.2.dev20260603
libtpu: 0.0.44.dev20260713+nightly
codegen_flags: <defaults>
</compile_context>

<pallas_src>
import functools

import jax
import jax.numpy as jnp
from jax import lax
from jax.experimental import pallas as pl
from jax.experimental.pallas import tpu as pltpu
from jax.experimental.pallas import tpu_sc as plsc

EMB = 128
SEQ = 200
BATCH = 4096
NC = 2
NS = 16
NW = NC * NS
ROWS = BATCH * SEQ
ROWS_PER_W = ROWS // NW
CHUNK = 128
CHUNKS = ROWS_PER_W // CHUNK
NBUF = 2
POS_EXT = SEQ + CHUNK
LANES = 16
EGRP = EMB // LANES


def _body(idx_hbm, table_hbm, pos_hbm, out_hbm,
          idx_v, pos_v, rows_v, gsem0, gsem1, wsem0, wsem1):
    gsems = (gsem0, gsem1)
    wsems = (wsem0, wsem1)
    wid = lax.axis_index("s") * NC + lax.axis_index("c")
    row0 = wid * ROWS_PER_W

    pltpu.sync_copy(pos_hbm, pos_v)
    pltpu.sync_copy(idx_hbm.at[pl.ds(wid * CHUNKS, CHUNKS)], idx_v)

    def start_gather(c, b):
        pltpu.async_copy(table_hbm.at[idx_v.at[c]], rows_v.at[b], gsems[b])

    start_gather(0, 0)
    start_gather(1, 1)

    def pair(g, carry):
        for b in range(NBUF):
            c = g * NBUF + b
            pltpu.make_async_copy(
                table_hbm.at[idx_v.at[c]], rows_v.at[b], gsems[b]).wait()
            s0 = lax.rem(c * CHUNK, SEQ)

            def add_row(j, acc):
                base = (s0 + j) * EMB
                ps = [pos_v[pl.ds(base + e * LANES, LANES)]
                      for e in range(EGRP)]
                for e in range(EGRP):
                    plsc.addupdate(
                        rows_v.at[b, j, pl.ds(e * LANES, LANES)], ps[e])
                return acc

            lax.fori_loop(0, CHUNK, add_row, 0, unroll=2)

            dst = out_hbm.at[pl.ds(row0 + c * CHUNK, CHUNK)]
            pltpu.async_copy(rows_v.at[b], dst, wsems[b])
            pltpu.make_async_copy(rows_v.at[b], dst, wsems[b]).wait()

            @pl.when(c < CHUNKS - NBUF)
            def _():
                start_gather(c + NBUF, b)
        return carry

    lax.fori_loop(0, CHUNKS // NBUF, pair, 0)


_emb_kernel = functools.partial(
    pl.kernel,
    out_type=jax.ShapeDtypeStruct((ROWS, EMB), jnp.float32),
    mesh=plsc.VectorSubcoreMesh(core_axis_name="c", subcore_axis_name="s"),
    scratch_types=[
        pltpu.VMEM((CHUNKS, CHUNK), jnp.int32),
        pltpu.VMEM((POS_EXT * EMB,), jnp.float32),
        pltpu.VMEM((NBUF, CHUNK, EMB), jnp.float32),
        pltpu.SemaphoreType.DMA,
        pltpu.SemaphoreType.DMA,
        pltpu.SemaphoreType.DMA,
        pltpu.SemaphoreType.DMA,
    ],
)(_body)


@jax.jit
def kernel(inputs, emb_weight, pos):
    idx = inputs.astype(jnp.int32).reshape(ROWS // CHUNK, CHUNK)
    pos_ext = jnp.concatenate([pos, pos[:CHUNK]], axis=0).reshape(-1)
    out = _emb_kernel(idx, emb_weight, pos_ext)
    return out.reshape(BATCH, SEQ, EMB)

# --- scband reference (transcript-rebuilt; emitter-appended) ---
"""Pipeline reference for scband-emd-and-pos-51488067944690 (READ-ONLY COPY).

The authoritative reference and input builder live on the scoring server;
editing this copy changes nothing except your own understanding.
"""

import jax, jax.numpy as jnp
import numpy as np
import math

EMB_SIZE = 128
SEQ_LEN = 200
DICT_NUMBER = 100000
BATCH = 4096


def _position(emb_size, seq_len):
    pos = np.arange(seq_len).astype(np.float64)[:, None]
    i = np.arange(emb_size)[None, :]
    exponent = np.where(i % 2 == 0, i, i - 1).astype(np.float64) / emb_size
    angle = pos / (10000.0 ** exponent)
    PE = np.where(i % 2 == 0, np.sin(angle), np.cos(angle))
    return jnp.asarray(PE, dtype=jnp.float32)


def setup_inputs(seed: int = 0) -> dict:
    key = jax.random.key(seed)
    k1, k2 = jax.random.split(key)
    inputs = jax.random.randint(k1, (BATCH, SEQ_LEN), 0, DICT_NUMBER)
    emb_weight = jax.random.normal(k2, (DICT_NUMBER, EMB_SIZE), dtype=jnp.float32)
    # padding_idx=0: row 0 initialized to zeros (torch nn.Embedding semantics)
    emb_weight = emb_weight.at[0].set(0.0)
    pos = _position(EMB_SIZE, SEQ_LEN)
    return {"inputs": inputs, "emb_weight": emb_weight, "pos": pos}


def reference(inputs, emb_weight, pos):
    # embedding lookup (gather) + broadcast positional encoding add
    X = jnp.take(emb_weight, inputs, axis=0)  # [B, S, E]
    return X + pos[None, :, :]

if __name__ == "__main__":
    import jax
    _d = setup_inputs()
    print(jax.jit(kernel)(*tuple(_d.values())))

</pallas_src>

<mosaic_0001>
#map = affine_map<(d0, d1) -> (0, 0)>
#map1 = affine_map<(d0, d1) -> (0)>
module attributes {stable_mosaic.version = 14 : i64} {
  func.func @_body(%arg0: i32, %arg1: i32, %arg2: memref<6400x128xi32, #tpu.memory_space<hbm>>, %arg3: memref<100000x128xf32, #tpu.memory_space<hbm>>, %arg4: memref<41984xf32, #tpu.memory_space<hbm>>, %arg5: memref<819200x128xf32, #tpu.memory_space<hbm>>, %arg6: memref<200x128xi32, #tpu.memory_space<vmem>>, %arg7: memref<41984xf32, #tpu.memory_space<vmem>>, %arg8: memref<2x128x128xf32, #tpu.memory_space<vmem>>, %arg9: memref<!tpu.dma_semaphore, #tpu.memory_space<semaphore_mem>>, %arg10: memref<!tpu.dma_semaphore, #tpu.memory_space<semaphore_mem>>, %arg11: memref<!tpu.dma_semaphore, #tpu.memory_space<semaphore_mem>>, %arg12: memref<!tpu.dma_semaphore, #tpu.memory_space<semaphore_mem>>) attributes {dimension_semantics = [#tpu.dimension_semantics<core_parallel>, #tpu.dimension_semantics<subcore_parallel>], iteration_bounds = array<i64: 2, 16>, scalar_prefetch = 0 : i64, scratch_operands = 7 : i64, tpu.core_type = #tpu.core_type<sc_vector_subcore>, window_params = [{transform_indices = #map}, {transform_indices = #map}, {transform_indices = #map1}, {transform_indices = #map}]} {
    %mul3A = arith.constant 2 : i32
    %mul3A_0 = arith.muli %arg1, %mul3A : i32
    %add3A = arith.addi %mul3A_0, %arg0 : i32
    %mul3A_1 = arith.constant 25600 : i32
    %mul3A_2 = arith.muli %add3A, %mul3A_1 : i32
    "tpu.region"() ({
      %run_scoped3A = tpu.sem_alloc : memref<!tpu.dma_semaphore, #tpu.memory_space<semaphore_mem>>
      tpu.enqueue_dma source(%arg4 : memref<41984xf32, #tpu.memory_space<hbm>>) target(%arg7 : memref<41984xf32, #tpu.memory_space<vmem>>) target_semaphore(%run_scoped3A : memref<!tpu.dma_semaphore, #tpu.memory_space<semaphore_mem>>)
      tpu.wait_dma2 semaphore(%run_scoped3A : memref<!tpu.dma_semaphore, #tpu.memory_space<semaphore_mem>>) src(%arg4 : memref<41984xf32, #tpu.memory_space<hbm>>) dst(%arg7 : memref<41984xf32, #tpu.memory_space<vmem>>)
      tpu.yield
    }) : () -> ()
    %mul3A_3 = arith.constant 200 : i32
    %mul3A_4 = arith.muli %add3A, %mul3A_3 : i32
    "tpu.region"() ({
      %run_scoped3A = tpu.sem_alloc : memref<!tpu.dma_semaphore, #tpu.memory_space<semaphore_mem>>
      %dma_start3A_33 = arith.constant 0 : i32
      %dma_start3A_34 = tpu.memref_slice %arg2[%mul3A_4, %dma_start3A_33] : memref<6400x128xi32, #tpu.memory_space<hbm>> -> memref<200x128xi32, #tpu.memory_space<hbm>>
      %dma_start3A_35 = arith.constant 0 : i32
      %dma_start3A_36 = tpu.memref_slice %arg2[%mul3A_4, %dma_start3A_35] : memref<6400x128xi32, #tpu.memory_space<hbm>> -> memref<200x128xi32, #tpu.memory_space<hbm>>
      tpu.enqueue_dma source(%dma_start3A_36 : memref<200x128xi32, #tpu.memory_space<hbm>>) target(%arg6 : memref<200x128xi32, #tpu.memory_space<vmem>>) target_semaphore(%run_scoped3A : memref<!tpu.dma_semaphore, #tpu.memory_space<semaphore_mem>>)
      %dma_wait3A = arith.constant 0 : i32
      %dma_wait3A_37 = tpu.memref_slice %arg2[%mul3A_4, %dma_wait3A] : memref<6400x128xi32, #tpu.memory_space<hbm>> -> memref<200x128xi32, #tpu.memory_space<hbm>>
      %dma_wait3A_38 = arith.constant 0 : i32
      %dma_wait3A_39 = tpu.memref_slice %arg2[%mul3A_4, %dma_wait3A_38] : memref<6400x128xi32, #tpu.memory_space<hbm>> -> memref<200x128xi32, #tpu.memory_space<hbm>>
      tpu.wait_dma2 semaphore(%run_scoped3A : memref<!tpu.dma_semaphore, #tpu.memory_space<semaphore_mem>>) src(%dma_wait3A_39 : memref<200x128xi32, #tpu.memory_space<hbm>>) dst(%arg6 : memref<200x128xi32, #tpu.memory_space<vmem>>)
      tpu.yield
    }) : () -> ()
    %dma_start3A = arith.constant 0 : i32
    %dma_start3A_5 = arith.constant 0 : i32
    %dma_start3A_6 = arith.constant 0 : i32
    %dma_start3A_7 = arith.constant 0 : i32
    %dma_start3A_8 = tpu.memref_slice %arg8[%dma_start3A_5, %dma_start3A_6, %dma_start3A_7] : memref<2x128x128xf32, #tpu.memory_space<vmem>> -> memref<1x128x128xf32, #tpu.memory_space<vmem>>
    %dma_start3A_9 = tpu.memref_squeeze %dma_start3A_8 : memref<1x128x128xf32, #tpu.memory_space<vmem>> -> memref<128x128xf32, #tpu.memory_space<vmem>>
    %dma_start3A_10 = arith.constant 0 : i32
    %dma_start3A_11 = tpu.memref_slice %arg6[%dma_start3A, %dma_start3A_10] : memref<200x128xi32, #tpu.memory_space<vmem>> -> memref<1x128xi32, #tpu.memory_space<vmem>>
    %dma_start3A_12 = tpu.memref_squeeze %dma_start3A_11 : memref<1x128xi32, #tpu.memory_space<vmem>> -> memref<128xi32, #tpu.memory_space<vmem>>
    %dma_start3A_13 = arith.constant 0 : i32
    %dma_start3A_14 = arith.constant 0 : i32
    %dma_start3A_15 = tpu.memref_slice %arg3[%dma_start3A_13, %dma_start3A_14] : memref<100000x128xf32, #tpu.memory_space<hbm>> -> memref<100000x128xf32, #tpu.memory_space<hbm>>
    tpu.enqueue_indirect_dma source(%dma_start3A_15 : memref<100000x128xf32, #tpu.memory_space<hbm>>) target(%dma_start3A_9 : memref<128x128xf32, #tpu.memory_space<vmem>>) offsets(%dma_start3A_12 : memref<128xi32, #tpu.memory_space<vmem>>) semaphore(%arg9 : memref<!tpu.dma_semaphore, #tpu.memory_space<semaphore_mem>>)
    %dma_start3A_16 = arith.constant 1 : i32
    %dma_start3A_17 = arith.constant 1 : i32
    %dma_start3A_18 = arith.constant 0 : i32
    %dma_start3A_19 = arith.constant 0 : i32
    %dma_start3A_20 = tpu.memref_slice %arg8[%dma_start3A_17, %dma_start3A_18, %dma_start3A_19] : memref<2x128x128xf32, #tpu.memory_space<vmem>> -> memref<1x128x128xf32, #tpu.memory_space<vmem>>
    %dma_start3A_21 = tpu.memref_squeeze %dma_start3A_20 : memref<1x128x128xf32, #tpu.memory_space<vmem>> -> memref<128x128xf32, #tpu.memory_space<vmem>>
    %dma_start3A_22 = arith.constant 0 : i32
    %dma_start3A_23 = tpu.memref_slice %arg6[%dma_start3A_16, %dma_start3A_22] : memref<200x128xi32, #tpu.memory_space<vmem>> -> memref<1x128xi32, #tpu.memory_space<vmem>>
    %dma_start3A_24 = tpu.memref_squeeze %dma_start3A_23 : memref<1x128xi32, #tpu.memory_space<vmem>> -> memref<128xi32, #tpu.memory_space<vmem>>
    %dma_start3A_25 = arith.constant 0 : i32
    %dma_start3A_26 = arith.constant 0 : i32
    %dma_start3A_27 = tpu.memref_slice %arg3[%dma_start3A_25, %dma_start3A_26] : memref<100000x128xf32, #tpu.memory_space<hbm>> -> memref<100000x128xf32, #tpu.memory_space<hbm>>
    tpu.enqueue_indirect_dma source(%dma_start3A_27 : memref<100000x128xf32, #tpu.memory_space<hbm>>) target(%dma_start3A_21 : memref<128x128xf32, #tpu.memory_space<vmem>>) offsets(%dma_start3A_24 : memref<128xi32, #tpu.memory_space<vmem>>) semaphore(%arg10 : memref<!tpu.dma_semaphore, #tpu.memory_space<semaphore_mem>>)
    %scan3A = arith.constant 0 : i32
    %scan3A_28 = arith.constant 0 : i32
    %scan3A_29 = arith.constant 100 : i32
    %scan3A_30 = arith.addi %scan3A_28, %scan3A_29 : i32
    %scan3A_31 = arith.constant 1 : i32
    scf.for %scan3A_33 = %scan3A_28 to %scan3A_30 step %scan3A_31  : i32 {
      %mul3A_34 = arith.constant 2 : i32
      %mul3A_35 = arith.muli %scan3A_33, %mul3A_34 : i32
      %add3A_36 = arith.constant 0 : i32
      %add3A_37 = arith.addi %mul3A_35, %add3A_36 : i32
      %dma_wait3A = arith.constant 0 : i32
      %dma_wait3A_38 = arith.constant 0 : i32
      %dma_wait3A_39 = arith.constant 0 : i32
      %dma_wait3A_40 = tpu.memref_slice %arg8[%dma_wait3A, %dma_wait3A_38, %dma_wait3A_39] : memref<2x128x128xf32, #tpu.memory_space<vmem>> -> memref<1x128x128xf32, #tpu.memory_space<vmem>>
      %dma_wait3A_41 = tpu.memref_squeeze %dma_wait3A_40 : memref<1x128x128xf32, #tpu.memory_space<vmem>> -> memref<128x128xf32, #tpu.memory_space<vmem>>
      %dma_wait3A_42 = arith.constant 0 : i32
      %dma_wait3A_43 = tpu.memref_slice %arg6[%add3A_37, %dma_wait3A_42] : memref<200x128xi32, #tpu.memory_space<vmem>> -> memref<1x128xi32, #tpu.memory_space<vmem>>
      %dma_wait3A_44 = tpu.memref_squeeze %dma_wait3A_43 : memref<1x128xi32, #tpu.memory_space<vmem>> -> memref<128xi32, #tpu.memory_space<vmem>>
      %dma_wait3A_45 = arith.constant 0 : i32
      %dma_wait3A_46 = arith.constant 0 : i32
      %dma_wait3A_47 = tpu.memref_slice %arg3[%dma_wait3A_45, %dma_wait3A_46] : memref<100000x128xf32, #tpu.memory_space<hbm>> -> memref<100000x128xf32, #tpu.memory_space<hbm>>
      tpu.wait_indirect_dma semaphore(%arg9 : memref<!tpu.dma_semaphore, #tpu.memory_space<semaphore_mem>>) src(%dma_wait3A_47 : memref<100000x128xf32, #tpu.memory_space<hbm>>) dst(%dma_wait3A_41 : memref<128x128xf32, #tpu.memory_space<vmem>>)
      %mul3A_48 = arith.constant 128 : i32
      %mul3A_49 = arith.muli %add3A_37, %mul3A_48 : i32
      %rem3A = arith.constant 200 : i32
      %rem3A_50 = arith.remsi %mul3A_49, %rem3A : i32
      %scan3A_51 = arith.constant 0 : i32
      %scan3A_52 = arith.constant 0 : i32
      %scan3A_53 = arith.constant 128 : i32
      %scan3A_54 = arith.addi %scan3A_52, %scan3A_53 : i32
      %scan3A_55 = arith.constant 2 : i32
      scf.for %scan3A_147 = %scan3A_52 to %scan3A_54 step %scan3A_55  : i32 {
        %add3A_148 = arith.addi %rem3A_50, %scan3A_147 : i32
        %mul3A_149 = arith.constant 128 : i32
        %mul3A_150 = arith.muli %add3A_148, %mul3A_149 : i32
        %add3A_151 = arith.constant 0 : i32
        %add3A_152 = arith.addi %mul3A_150, %add3A_151 : i32
        %get3A = arith.index_cast %add3A_152 : i32 to index
        %get3A_153 = tpu.vector_load %arg7[%get3A] {strides = array<i32>} : memref<41984xf32, #tpu.memory_space<vmem>>, vector<16xf32>,
        %get3A_154 = vector.shape_cast %get3A_153 : vector<16xf32> to vector<16xf32>
        %add3A_155 = arith.constant 16 : i32
        %add3A_156 = arith.addi %mul3A_150, %add3A_155 : i32
        %get3A_157 = arith.index_cast %add3A_156 : i32 to index
        %get3A_158 = tpu.vector_load %arg7[%get3A_157] {strides = array<i32>} : memref<41984xf32, #tpu.memory_space<vmem>>, vector<16xf32>,
        %get3A_159 = vector.shape_cast %get3A_158 : vector<16xf32> to vector<16xf32>
        %add3A_160 = arith.constant 32 : i32
        %add3A_161 = arith.addi %mul3A_150, %add3A_160 : i32
        %get3A_162 = arith.index_cast %add3A_161 : i32 to index
        %get3A_163 = tpu.vector_load %arg7[%get3A_162] {strides = array<i32>} : memref<41984xf32, #tpu.memory_space<vmem>>, vector<16xf32>,
        %get3A_164 = vector.shape_cast %get3A_163 : vector<16xf32> to vector<16xf32>
        %add3A_165 = arith.constant 48 : i32
        %add3A_166 = arith.addi %mul3A_150, %add3A_165 : i32
        %get3A_167 = arith.index_cast %add3A_166 : i32 to index
        %get3A_168 = tpu.vector_load %arg7[%get3A_167] {strides = array<i32>} : memref<41984xf32, #tpu.memory_space<vmem>>, vector<16xf32>,
        %get3A_169 = vector.shape_cast %get3A_168 : vector<16xf32> to vector<16xf32>
        %add3A_170 = arith.constant 64 : i32
        %add3A_171 = arith.addi %mul3A_150, %add3A_170 : i32
        %get3A_172 = arith.index_cast %add3A_171 : i32 to index
        %get3A_173 = tpu.vector_load %arg7[%get3A_172] {strides = array<i32>} : memref<41984xf32, #tpu.memory_space<vmem>>, vector<16xf32>,
        %get3A_174 = vector.shape_cast %get3A_173 : vector<16xf32> to vector<16xf32>
        %add3A_175 = arith.constant 80 : i32
        %add3A_176 = arith.addi %mul3A_150, %add3A_175 : i32
        %get3A_177 = arith.index_cast %add3A_176 : i32 to index
        %get3A_178 = tpu.vector_load %arg7[%get3A_177] {strides = array<i32>} : memref<41984xf32, #tpu.memory_space<vmem>>, vector<16xf32>,
        %get3A_179 = vector.shape_cast %get3A_178 : vector<16xf32> to vector<16xf32>
        %add3A_180 = arith.constant 96 : i32
        %add3A_181 = arith.addi %mul3A_150, %add3A_180 : i32
        %get3A_182 = arith.index_cast %add3A_181 : i32 to index
        %get3A_183 = tpu.vector_load %arg7[%get3A_182] {strides = array<i32>} : memref<41984xf32, #tpu.memory_space<vmem>>, vector<16xf32>,
        %get3A_184 = vector.shape_cast %get3A_183 : vector<16xf32> to vector<16xf32>
        %add3A_185 = arith.constant 112 : i32
        %add3A_186 = arith.addi %mul3A_150, %add3A_185 : i32
        %get3A_187 = arith.index_cast %add3A_186 : i32 to index
        %get3A_188 = tpu.vector_load %arg7[%get3A_187] {strides = array<i32>} : memref<41984xf32, #tpu.memory_space<vmem>>, vector<16xf32>,
        %get3A_189 = vector.shape_cast %get3A_188 : vector<16xf32> to vector<16xf32>
        %swap3A = arith.constant 0 : i32
        %swap3A_190 = arith.index_cast %swap3A : i32 to index
        %swap3A_191 = arith.index_cast %scan3A_147 : i32 to index
        %swap3A_192 = arith.constant 0 : index
        %swap3A_193 = tpu.vector_load %arg8[%swap3A_190, %swap3A_191, %swap3A_192] {strides = array<i32>} : memref<2x128x128xf32, #tpu.memory_space<vmem>>, vector<1x1x16xf32>,
        %swap3A_194 = vector.shape_cast %swap3A_193 : vector<1x1x16xf32> to vector<16xf32>
        %swap3A_195 = vector.shape_cast %get3A_154 : vector<16xf32> to vector<1x1x16xf32>
        tpu.vector_store %arg8[%swap3A_190, %swap3A_191, %swap3A_192], %swap3A_195 {add = true, strides = array<i32>} : memref<2x128x128xf32, #tpu.memory_space<vmem>>, vector<1x1x16xf32>,
        %swap3A_196 = arith.constant 0 : i32
        %swap3A_197 = arith.index_cast %swap3A_196 : i32 to index
        %swap3A_198 = arith.index_cast %scan3A_147 : i32 to index
        %swap3A_199 = arith.constant 16 : index
        %swap3A_200 = tpu.vector_load %arg8[%swap3A_197, %swap3A_198, %swap3A_199] {strides = array<i32>} : memref<2x128x128xf32, #tpu.memory_space<vmem>>, vector<1x1x16xf32>,
        %swap3A_201 = vector.shape_cast %swap3A_200 : vector<1x1x16xf32> to vector<16xf32>
        %swap3A_202 = vector.shape_cast %get3A_159 : vector<16xf32> to vector<1x1x16xf32>
        tpu.vector_store %arg8[%swap3A_197, %swap3A_198, %swap3A_199], %swap3A_202 {add = true, strides = array<i32>} : memref<2x128x128xf32, #tpu.memory_space<vmem>>, vector<1x1x16xf32>,
        %swap3A_203 = arith.constant 0 : i32
        %swap3A_204 = arith.index_cast %swap3A_203 : i32 to index
        %swap3A_205 = arith.index_cast %scan3A_147 : i32 to index
        %swap3A_206 = arith.constant 32 : index
        %swap3A_207 = tpu.vector_load %arg8[%swap3A_204, %swap3A_205, %swap3A_206] {strides = array<i32>} : memref<2x128x128xf32, #tpu.memory_space<vmem>>, vector<1x1x16xf32>,
        %swap3A_208 = vector.shape_cast %swap3A_207 : vector<1x1x16xf32> to vector<16xf32>
        %swap3A_209 = vector.shape_cast %get3A_164 : vector<16xf32> to vector<1x1x16xf32>
        tpu.vector_store %arg8[%swap3A_204, %swap3A_205, %swap3A_206], %swap3A_209 {add = true, strides = array<i32>} : memref<2x128x128xf32, #tpu.memory_space<vmem>>, vector<1x1x16xf32>,
        %swap3A_210 = arith.constant 0 : i32
        %swap3A_211 = arith.index_cast %swap3A_210 : i32 to index
        %swap3A_212 = arith.index_cast %scan3A_147 : i32 to index
        %swap3A_213 = arith.constant 48 : index
        %swap3A_214 = tpu.vector_load %arg8[%swap3A_211, %swap3A_212, %swap3A_213] {strides = array<i32>} : memref<2x128x128xf32, #tpu.memory_space<vmem>>, vector<1x1x16xf32>,
        %swap3A_215 = vector.shape_cast %swap3A_214 : vector<1x1x16xf32> to vector<16xf32>
        %swap3A_216 = vector.shape_cast %get3A_169 : vector<16xf32> to vector<1x1x16xf32>
        tpu.vector_store %arg8[%swap3A_211, %swap3A_212, %swap3A_213], %swap3A_216 {add = true, strides = array<i32>} : memref<2x128x128xf32, #tpu.memory_space<vmem>>, vector<1x1x16xf32>,
        %swap3A_217 = arith.constant 0 : i32
        %swap3A_218 = arith.index_cast %swap3A_217 : i32 to index
        %swap3A_219 = arith.index_cast %scan3A_147 : i32 to index
        %swap3A_220 = arith.constant 64 : index
        %swap3A_221 = tpu.vector_load %arg8[%swap3A_218, %swap3A_219, %swap3A_220] {strides = array<i32>} : memref<2x128x128xf32, #tpu.memory_space<vmem>>, vector<1x1x16xf32>,
        %swap3A_222 = vector.shape_cast %swap3A_221 : vector<1x1x16xf32> to vector<16xf32>
        %swap3A_223 = vector.shape_cast %get3A_174 : vector<16xf32> to vector<1x1x16xf32>
        tpu.vector_store %arg8[%swap3A_218, %swap3A_219, %swap3A_220], %swap3A_223 {add = true, strides = array<i32>} : memref<2x128x128xf32, #tpu.memory_space<vmem>>, vector<1x1x16xf32>,
        %swap3A_224 = arith.constant 0 : i32
        %swap3A_225 = arith.index_cast %swap3A_224 : i32 to index
        %swap3A_226 = arith.index_cast %scan3A_147 : i32 to index
        %swap3A_227 = arith.constant 80 : index
        %swap3A_228 = tpu.vector_load %arg8[%swap3A_225, %swap3A_226, %swap3A_227] {strides = array<i32>} : memref<2x128x128xf32, #tpu.memory_space<vmem>>, vector<1x1x16xf32>,
        %swap3A_229 = vector.shape_cast %swap3A_228 : vector<1x1x16xf32> to vector<16xf32>
        %swap3A_230 = vector.shape_cast %get3A_179 : vector<16xf32> to vector<1x1x16xf32>
        tpu.vector_store %arg8[%swap3A_225, %swap3A_226, %swap3A_227], %swap3A_230 {add = true, strides = array<i32>} : memref<2x128x128xf32, #tpu.memory_space<vmem>>, vector<1x1x16xf32>,
        %swap3A_231 = arith.constant 0 : i32
        %swap3A_232 = arith.index_cast %swap3A_231 : i32 to index
        %swap3A_233 = arith.index_cast %scan3A_147 : i32 to index
        %swap3A_234 = arith.constant 96 : index
        %swap3A_235 = tpu.vector_load %arg8[%swap3A_232, %swap3A_233, %swap3A_234] {strides = array<i32>} : memref<2x128x128xf32, #tpu.memory_space<vmem>>, vector<1x1x16xf32>,
        %swap3A_236 = vector.shape_cast %swap3A_235 : vector<1x1x16xf32> to vector<16xf32>
        %swap3A_237 = vector.shape_cast %get3A_184 : vector<16xf32> to vector<1x1x16xf32>
        tpu.vector_store %arg8[%swap3A_232, %swap3A_233, %swap3A_234], %swap3A_237 {add = true, strides = array<i32>} : memref<2x128x128xf32, #tpu.memory_space<vmem>>, vector<1x1x16xf32>,
        %swap3A_238 = arith.constant 0 : i32
        %swap3A_239 = arith.index_cast %swap3A_238 : i32 to index
        %swap3A_240 = arith.index_cast %scan3A_147 : i32 to index
        %swap3A_241 = arith.constant 112 : index
        %swap3A_242 = tpu.vector_load %arg8[%swap3A_239, %swap3A_240, %swap3A_241] {strides = array<i32>} : memref<2x128x128xf32, #tpu.memory_space<vmem>>, vector<1x1x16xf32>,
        %swap3A_243 = vector.shape_cast %swap3A_242 : vector<1x1x16xf32> to vector<16xf32>
        %swap3A_244 = vector.shape_cast %get3A_189 : vector<16xf32> to vector<1x1x16xf32>
        tpu.vector_store %arg8[%swap3A_239, %swap3A_240, %swap3A_241], %swap3A_244 {add = true, strides = array<i32>} : memref<2x128x128xf32, #tpu.memory_space<vmem>>, vector<1x1x16xf32>,
        %scan3A_245 = arith.constant 1 : i32
        %scan3A_246 = arith.addi %scan3A_147, %scan3A_245 : i32
        %add3A_247 = arith.addi %rem3A_50, %scan3A_246 : i32
        %mul3A_248 = arith.constant 128 : i32
        %mul3A_249 = arith.muli %add3A_247, %mul3A_248 : i32
        %add3A_250 = arith.constant 0 : i32
        %add3A_251 = arith.addi %mul3A_249, %add3A_250 : i32
        %get3A_252 = arith.index_cast %add3A_251 : i32 to index
        %get3A_253 = tpu.vector_load %arg7[%get3A_252] {strides = array<i32>} : memref<41984xf32, #tpu.memory_space<vmem>>, vector<16xf32>,
        %get3A_254 = vector.shape_cast %get3A_253 : vector<16xf32> to vector<16xf32>
        %add3A_255 = arith.constant 16 : i32
        %add3A_256 = arith.addi %mul3A_249, %add3A_255 : i32
        %get3A_257 = arith.index_cast %add3A_256 : i32 to index
        %get3A_258 = tpu.vector_load %arg7[%get3A_257] {strides = array<i32>} : memref<41984xf32, #tpu.memory_space<vmem>>, vector<16xf32>,
        %get3A_259 = vector.shape_cast %get3A_258 : vector<16xf32> to vector<16xf32>
        %add3A_260 = arith.constant 32 : i32
        %add3A_261 = arith.addi %mul3A_249, %add3A_260 : i32
        %get3A_262 = arith.index_cast %add3A_261 : i32 to index
        %get3A_263 = tpu.vector_load %arg7[%get3A_262] {strides = array<i32>} : memref<41984xf32, #tpu.memory_space<vmem>>, vector<16xf32>,
        %get3A_264 = vector.shape_cast %get3A_263 : vector<16xf32> to vector<16xf32>
        %add3A_265 = arith.constant 48 : i32
        %add3A_266 = arith.addi %mul3A_249, %add3A_265 : i32
        %get3A_267 = arith.index_cast %add3A_266 : i32 to index
        %get3A_268 = tpu.vector_load %arg7[%get3A_267] {strides = array<i32>} : memref<41984xf32, #tpu.memory_space<vmem>>, vector<16xf32>,
        %get3A_269 = vector.shape_cast %get3A_268 : vector<16xf32> to vector<16xf32>
        %add3A_270 = arith.constant 64 : i32
        %add3A_271 = arith.addi %mul3A_249, %add3A_270 : i32
        %get3A_272 = arith.index_cast %add3A_271 : i32 to index
        %get3A_273 = tpu.vector_load %arg7[%get3A_272] {strides = array<i32>} : memref<41984xf32, #tpu.memory_space<vmem>>, vector<16xf32>,
        %get3A_274 = vector.shape_cast %get3A_273 : vector<16xf32> to vector<16xf32>
        %add3A_275 = arith.constant 80 : i32
        %add3A_276 = arith.addi %mul3A_249, %add3A_275 : i32
        %get3A_277 = arith.index_cast %add3A_276 : i32 to index
        %get3A_278 = tpu.vector_load %arg7[%get3A_277] {strides = array<i32>} : memref<41984xf32, #tpu.memory_space<vmem>>, vector<16xf32>,
        %get3A_279 = vector.shape_cast %get3A_278 : vector<16xf32> to vector<16xf32>
        %add3A_280 = arith.constant 96 : i32
        %add3A_281 = arith.addi %mul3A_249, %add3A_280 : i32
        %get3A_282 = arith.index_cast %add3A_281 : i32 to index
        %get3A_283 = tpu.vector_load %arg7[%get3A_282] {strides = array<i32>} : memref<41984xf32, #tpu.memory_space<vmem>>, vector<16xf32>,
        %get3A_284 = vector.shape_cast %get3A_283 : vector<16xf32> to vector<16xf32>
        %add3A_285 = arith.constant 112 : i32
        %add3A_286 = arith.addi %mul3A_249, %add3A_285 : i32
        %get3A_287 = arith.index_cast %add3A_286 : i32 to index
        %get3A_288 = tpu.vector_load %arg7[%get3A_287] {strides = array<i32>} : memref<41984xf32, #tpu.memory_space<vmem>>, vector<16xf32>,
        %get3A_289 = vector.shape_cast %get3A_288 : vector<16xf32> to vector<16xf32>
        %swap3A_290 = arith.constant 0 : i32
        %swap3A_291 = arith.index_cast %swap3A_290 : i32 to index
        %swap3A_292 = arith.index_cast %scan3A_246 : i32 to index
        %swap3A_293 = arith.constant 0 : index
        %swap3A_294 = tpu.vector_load %arg8[%swap3A_291, %swap3A_292, %swap3A_293] {strides = array<i32>} : memref<2x128x128xf32, #tpu.memory_space<vmem>>, vector<1x1x16xf32>,
        %swap3A_295 = vector.shape_cast %swap3A_294 : vector<1x1x16xf32> to vector<16xf32>
        %swap3A_296 = vector.shape_cast %get3A_254 : vector<16xf32> to vector<1x1x16xf32>
        tpu.vector_store %arg8[%swap3A_291, %swap3A_292, %swap3A_293], %swap3A_296 {add = true, strides = array<i32>} : memref<2x128x128xf32, #tpu.memory_space<vmem>>, vector<1x1x16xf32>,
        %swap3A_297 = arith.constant 0 : i32
        %swap3A_298 = arith.index_cast %swap3A_297 : i32 to index
        %swap3A_299 = arith.index_cast %scan3A_246 : i32 to index
        %swap3A_300 = arith.constant 16 : index
        %swap3A_301 = tpu.vector_load %arg8[%swap3A_298, %swap3A_299, %swap3A_300] {strides = array<i32>} : memref<2x128x128xf32, #tpu.memory_space<vmem>>, vector<1x1x16xf32>,
        %swap3A_302 = vector.shape_cast %swap3A_301 : vector<1x1x16xf32> to vector<16xf32>
        %swap3A_303 = vector.shape_cast %get3A_259 : vector<16xf32> to vector<1x1x16xf32>
        tpu.vector_store %arg8[%swap3A_298, %swap3A_299, %swap3A_300], %swap3A_303 {add = true, strides = array<i32>} : memref<2x128x128xf32, #tpu.memory_space<vmem>>, vector<1x1x16xf32>,
        %swap3A_304 = arith.constant 0 : i32
        %swap3A_305 = arith.index_cast %swap3A_304 : i32 to index
        %swap3A_306 = arith.index_cast %scan3A_246 : i32 to index
        %swap3A_307 = arith.constant 32 : index
        %swap3A_308 = tpu.vector_load %arg8[%swap3A_305, %swap3A_306, %swap3A_307] {strides = array<i32>} : memref<2x128x128xf32, #tpu.memory_space<vmem>>, vector<1x1x16xf32>,
        %swap3A_309 = vector.shape_cast %swap3A_308 : vector<1x1x16xf32> to vector<16xf32>
        %swap3A_310 = vector.shape_cast %get3A_264 : vector<16xf32> to vector<1x1x16xf32>
        tpu.vector_store %arg8[%swap3A_305, %swap3A_306, %swap3A_307], %swap3A_310 {add = true, strides = array<i32>} : memref<2x128x128xf32, #tpu.memory_space<vmem>>, vector<1x1x16xf32>,
        %swap3A_311 = arith.constant 0 : i32
        %swap3A_312 = arith.index_cast %swap3A_311 : i32 to index
        %swap3A_313 = arith.index_cast %scan3A_246 : i32 to index
        %swap3A_314 = arith.constant 48 : index
        %swap3A_315 = tpu.vector_load %arg8[%swap3A_312, %swap3A_313, %swap3A_314] {strides = array<i32>} : memref<2x128x128xf32, #tpu.memory_space<vmem>>, vector<1x1x16xf32>,
        %swap3A_316 = vector.shape_cast %swap3A_315 : vector<1x1x16xf32> to vector<16xf32>
        %swap3A_317 = vector.shape_cast %get3A_269 : vector<16xf32> to vector<1x1x16xf32>
        tpu.vector_store %arg8[%swap3A_312, %swap3A_313, %swap3A_314], %swap3A_317 {add = true, strides = array<i32>} : memref<2x128x128xf32, #tpu.memory_space<vmem>>, vector<1x1x16xf32>,
        %swap3A_318 = arith.constant 0 : i32
        %swap3A_319 = arith.index_cast %swap3A_318 : i32 to index
        %swap3A_320 = arith.index_cast %scan3A_246 : i32 to index
        %swap3A_321 = arith.constant 64 : index
        %swap3A_322 = tpu.vector_load %arg8[%swap3A_319, %swap3A_320, %swap3A_321] {strides = array<i32>} : memref<2x128x128xf32, #tpu.memory_space<vmem>>, vector<1x1x16xf32>,
        %swap3A_323 = vector.shape_cast %swap3A_322 : vector<1x1x16xf32> to vector<16xf32>
        %swap3A_324 = vector.shape_cast %get3A_274 : vector<16xf32> to vector<1x1x16xf32>
        tpu.vector_store %arg8[%swap3A_319, %swap3A_320, %swap3A_321], %swap3A_324 {add = true, strides = array<i32>} : memref<2x128x128xf32, #tpu.memory_space<vmem>>, vector<1x1x16xf32>,
        %swap3A_325 = arith.constant 0 : i32
        %swap3A_326 = arith.index_cast %swap3A_325 : i32 to index
        %swap3A_327 = arith.index_cast %scan3A_246 : i32 to index
        %swap3A_328 = arith.constant 80 : index
        %swap3A_329 = tpu.vector_load %arg8[%swap3A_326, %swap3A_327, %swap3A_328] {strides = array<i32>} : memref<2x128x128xf32, #tpu.memory_space<vmem>>, vector<1x1x16xf32>,
        %swap3A_330 = vector.shape_cast %swap3A_329 : vector<1x1x16xf32> to vector<16xf32>
        %swap3A_331 = vector.shape_cast %get3A_279 : vector<16xf32> to vector<1x1x16xf32>
        tpu.vector_store %arg8[%swap3A_326, %swap3A_327, %swap3A_328], %swap3A_331 {add = true, strides = array<i32>} : memref<2x128x128xf32, #tpu.memory_space<vmem>>, vector<1x1x16xf32>,
        %swap3A_332 = arith.constant 0 : i32
        %swap3A_333 = arith.index_cast %swap3A_332 : i32 to index
        %swap3A_334 = arith.index_cast %scan3A_246 : i32 to index
        %swap3A_335 = arith.constant 96 : index
        %swap3A_336 = tpu.vector_load %arg8[%swap3A_333, %swap3A_334, %swap3A_335] {strides = array<i32>} : memref<2x128x128xf32, #tpu.memory_space<vmem>>, vector<1x1x16xf32>,
        %swap3A_337 = vector.shape_cast %swap3A_336 : vector<1x1x16xf32> to vector<16xf32>
        %swap3A_338 = vector.shape_cast %get3A_284 : vector<16xf32> to vector<1x1x16xf32>
        tpu.vector_store %arg8[%swap3A_333, %swap3A_334, %swap3A_335], %swap3A_338 {add = true, strides = array<i32>} : memref<2x128x128xf32, #tpu.memory_space<vmem>>, vector<1x1x16xf32>,
        %swap3A_339 = arith.constant 0 : i32
        %swap3A_340 = arith.index_cast %swap3A_339 : i32 to index
        %swap3A_341 = arith.index_cast %scan3A_246 : i32 to index
        %swap3A_342 = arith.constant 112 : index
        %swap3A_343 = tpu.vector_load %arg8[%swap3A_340, %swap3A_341, %swap3A_342] {strides = array<i32>} : memref<2x128x128xf32, #tpu.memory_space<vmem>>, vector<1x1x16xf32>,
        %swap3A_344 = vector.shape_cast %swap3A_343 : vector<1x1x16xf32> to vector<16xf32>
        %swap3A_345 = vector.shape_cast %get3A_289 : vector<16xf32> to vector<1x1x16xf32>
        tpu.vector_store %arg8[%swap3A_340, %swap3A_341, %swap3A_342], %swap3A_345 {add = true, strides = array<i32>} : memref<2x128x128xf32, #tpu.memory_space<vmem>>, vector<1x1x16xf32>,
      }
      %scan3A_56 = arith.constant 128 : i32
      %mul3A_57 = arith.constant 128 : i32
      %mul3A_58 = arith.muli %add3A_37, %mul3A_57 : i32
      %add3A_59 = arith.addi %mul3A_2, %mul3A_58 : i32
      %dma_start3A_60 = arith.constant 0 : i32
      %dma_start3A_61 = arith.constant 0 : i32
      %dma_start3A_62 = arith.constant 0 : i32
      %dma_start3A_63 = tpu.memref_slice %arg8[%dma_start3A_60, %dma_start3A_61, %dma_start3A_62] : memref<2x128x128xf32, #tpu.memory_space<vmem>> -> memref<1x128x128xf32, #tpu.memory_space<vmem>>
      %dma_start3A_64 = tpu.memref_squeeze %dma_start3A_63 : memref<1x128x128xf32, #tpu.memory_space<vmem>> -> memref<128x128xf32, #tpu.memory_space<vmem>>
      %dma_start3A_65 = arith.constant 0 : i32
      %dma_start3A_66 = tpu.memref_slice %arg5[%add3A_59, %dma_start3A_65] : memref<819200x128xf32, #tpu.memory_space<hbm>> -> memref<128x128xf32, #tpu.memory_space<hbm>>
      %dma_start3A_67 = arith.constant 0 : i32
      %dma_start3A_68 = tpu.memref_slice %arg5[%add3A_59, %dma_start3A_67] : memref<819200x128xf32, #tpu.memory_space<hbm>> -> memref<128x128xf32, #tpu.memory_space<hbm>>
      %dma_start3A_69 = arith.constant 0 : i32
      %dma_start3A_70 = arith.constant 0 : i32
      %dma_start3A_71 = tpu.memref_slice %arg8[%dma_start3A_60, %dma_start3A_69, %dma_start3A_70] : memref<2x128x128xf32, #tpu.memory_space<vmem>> -> memref<1x128x128xf32, #tpu.memory_space<vmem>>
      %dma_start3A_72 = tpu.memref_squeeze %dma_start3A_71 : memref<1x128x128xf32, #tpu.memory_space<vmem>> -> memref<128x128xf32, #tpu.memory_space<vmem>>
      tpu.enqueue_dma source(%dma_start3A_72 : memref<128x128xf32, #tpu.memory_space<vmem>>) target(%dma_start3A_68 : memref<128x128xf32, #tpu.memory_space<hbm>>) target_semaphore(%arg11 : memref<!tpu.dma_semaphore, #tpu.memory_space<semaphore_mem>>)
      %dma_wait3A_73 = arith.constant 0 : i32
      %dma_wait3A_74 = arith.constant 0 : i32
      %dma_wait3A_75 = arith.constant 0 : i32
      %dma_wait3A_76 = tpu.memref_slice %arg8[%dma_wait3A_73, %dma_wait3A_74, %dma_wait3A_75] : memref<2x128x128xf32, #tpu.memory_space<vmem>> -> memref<1x128x128xf32, #tpu.memory_space<vmem>>
      %dma_wait3A_77 = tpu.memref_squeeze %dma_wait3A_76 : memref<1x128x128xf32, #tpu.memory_space<vmem>> -> memref<128x128xf32, #tpu.memory_space<vmem>>
      %dma_wait3A_78 = arith.constant 0 : i32
      %dma_wait3A_79 = tpu.memref_slice %arg5[%add3A_59, %dma_wait3A_78] : memref<819200x128xf32, #tpu.memory_space<hbm>> -> memref<128x128xf32, #tpu.memory_space<hbm>>
      %dma_wait3A_80 = arith.constant 0 : i32
      %dma_wait3A_81 = tpu.memref_slice %arg5[%add3A_59, %dma_wait3A_80] : memref<819200x128xf32, #tpu.memory_space<hbm>> -> memref<128x128xf32, #tpu.memory_space<hbm>>
      %dma_wait3A_82 = arith.constant 0 : i32
      %dma_wait3A_83 = arith.constant 0 : i32
      %dma_wait3A_84 = tpu.memref_slice %arg8[%dma_wait3A_73, %dma_wait3A_82, %dma_wait3A_83] : memref<2x128x128xf32, #tpu.memory_space<vmem>> -> memref<1x128x128xf32, #tpu.memory_space<vmem>>
      %dma_wait3A_85 = tpu.memref_squeeze %dma_wait3A_84 : memref<1x128x128xf32, #tpu.memory_space<vmem>> -> memref<128x128xf32, #tpu.memory_space<vmem>>
      tpu.wait_dma2 semaphore(%arg11 : memref<!tpu.dma_semaphore, #tpu.memory_space<semaphore_mem>>) src(%dma_wait3A_85 : memref<128x128xf32, #tpu.memory_space<vmem>>) dst(%dma_wait3A_81 : memref<128x128xf32, #tpu.memory_space<hbm>>)
      %lt3A = arith.constant 198 : i32
      %lt3A_86 = arith.cmpi slt, %add3A_37, %lt3A : i32
      %convert_element_type3A = arith.extui %lt3A_86 : i1 to i32
      %cond3A = arith.constant 0 : i32
      %cond3A_87 = arith.cmpi ne, %convert_element_type3A, %cond3A : i32
      scf.if %cond3A_87 {
        %add3A_147 = arith.constant 2 : i32
        %add3A_148 = arith.addi %add3A_37, %add3A_147 : i32
        %dma_start3A_149 = arith.constant 0 : i32
        %dma_start3A_150 = arith.constant 0 : i32
        %dma_start3A_151 = arith.constant 0 : i32
        %dma_start3A_152 = tpu.memref_slice %arg8[%dma_start3A_149, %dma_start3A_150, %dma_start3A_151] : memref<2x128x128xf32, #tpu.memory_space<vmem>> -> memref<1x128x128xf32, #tpu.memory_space<vmem>>
        %dma_start3A_153 = tpu.memref_squeeze %dma_start3A_152 : memref<1x128x128xf32, #tpu.memory_space<vmem>> -> memref<128x128xf32, #tpu.memory_space<vmem>>
        %dma_start3A_154 = arith.constant 0 : i32
        %dma_start3A_155 = tpu.memref_slice %arg6[%add3A_148, %dma_start3A_154] : memref<200x128xi32, #tpu.memory_space<vmem>> -> memref<1x128xi32, #tpu.memory_space<vmem>>
        %dma_start3A_156 = tpu.memref_squeeze %dma_start3A_155 : memref<1x128xi32, #tpu.memory_space<vmem>> -> memref<128xi32, #tpu.memory_space<vmem>>
        %dma_start3A_157 = arith.constant 0 : i32
        %dma_start3A_158 = arith.constant 0 : i32
        %dma_start3A_159 = tpu.memref_slice %arg3[%dma_start3A_157, %dma_start3A_158] : memref<100000x128xf32, #tpu.memory_space<hbm>> -> memref<100000x128xf32, #tpu.memory_space<hbm>>
        tpu.enqueue_indirect_dma source(%dma_start3A_159 : memref<100000x128xf32, #tpu.memory_space<hbm>>) target(%dma_start3A_153 : memref<128x128xf32, #tpu.memory_space<vmem>>) offsets(%dma_start3A_156 : memref<128xi32, #tpu.memory_space<vmem>>) semaphore(%arg9 : memref<!tpu.dma_semaphore, #tpu.memory_space<semaphore_mem>>)
      } else {
      }
      %mul3A_88 = arith.constant 2 : i32
      %mul3A_89 = arith.muli %scan3A_33, %mul3A_88 : i32
      %add3A_90 = arith.constant 1 : i32
      %add3A_91 = arith.addi %mul3A_89, %add3A_90 : i32
      %dma_wait3A_92 = arith.constant 1 : i32
      %dma_wait3A_93 = arith.constant 0 : i32
      %dma_wait3A_94 = arith.constant 0 : i32
      %dma_wait3A_95 = tpu.memref_slice %arg8[%dma_wait3A_92, %dma_wait3A_93, %dma_wait3A_94] : memref<2x128x128xf32, #tpu.memory_space<vmem>> -> memref<1x128x128xf32, #tpu.memory_space<vmem>>
      %dma_wait3A_96 = tpu.memref_squeeze %dma_wait3A_95 : memref<1x128x128xf32, #tpu.memory_space<vmem>> -> memref<128x128xf32, #tpu.memory_space<vmem>>
      %dma_wait3A_97 = arith.constant 0 : i32
      %dma_wait3A_98 = tpu.memref_slice %arg6[%add3A_91, %dma_wait3A_97] : memref<200x128xi32, #tpu.memory_space<vmem>> -> memref<1x128xi32, #tpu.memory_space<vmem>>
      %dma_wait3A_99 = tpu.memref_squeeze %dma_wait3A_98 : memref<1x128xi32, #tpu.memory_space<vmem>> -> memref<128xi32, #tpu.memory_space<vmem>>
      %dma_wait3A_100 = arith.constant 0 : i32
      %dma_wait3A_101 = arith.constant 0 : i32
      %dma_wait3A_102 = tpu.memref_slice %arg3[%dma_wait3A_100, %dma_wait3A_101] : memref<100000x128xf32, #tpu.memory_space<hbm>> -> memref<100000x128xf32, #tpu.memory_space<hbm>>
      tpu.wait_indirect_dma semaphore(%arg10 : memref<!tpu.dma_semaphore, #tpu.memory_space<semaphore_mem>>) src(%dma_wait3A_102 : memref<100000x128xf32, #tpu.memory_space<hbm>>) dst(%dma_wait3A_96 : memref<128x128xf32, #tpu.memory_space<vmem>>)
      %mul3A_103 = arith.constant 128 : i32
      %mul3A_104 = arith.muli %add3A_91, %mul3A_103 : i32
      %rem3A_105 = arith.constant 200 : i32
      %rem3A_106 = arith.remsi %mul3A_104, %rem3A_105 : i32
      %scan3A_107 = arith.constant 0 : i32
      %scan3A_108 = arith.constant 0 : i32
      %scan3A_109 = arith.constant 128 : i32
      %scan3A_110 = arith.addi %scan3A_108, %scan3A_109 : i32
      %scan3A_111 = arith.constant 2 : i32
      scf.for %scan3A_147 = %scan3A_108 to %scan3A_110 step %scan3A_111  : i32 {
        %add3A_148 = arith.addi %rem3A_106, %scan3A_147 : i32
        %mul3A_149 = arith.constant 128 : i32
        %mul3A_150 = arith.muli %add3A_148, %mul3A_149 : i32
        %add3A_151 = arith.constant 0 : i32
        %add3A_152 = arith.addi %mul3A_150, %add3A_151 : i32
        %get3A = arith.index_cast %add3A_152 : i32 to index
        %get3A_153 = tpu.vector_load %arg7[%get3A] {strides = array<i32>} : memref<41984xf32, #tpu.memory_space<vmem>>, vector<16xf32>,
        %get3A_154 = vector.shape_cast %get3A_153 : vector<16xf32> to vector<16xf32>
        %add3A_155 = arith.constant 16 : i32
        %add3A_156 = arith.addi %mul3A_150, %add3A_155 : i32
        %get3A_157 = arith.index_cast %add3A_156 : i32 to index
        %get3A_158 = tpu.vector_load %arg7[%get3A_157] {strides = array<i32>} : memref<41984xf32, #tpu.memory_space<vmem>>, vector<16xf32>,
        %get3A_159 = vector.shape_cast %get3A_158 : vector<16xf32> to vector<16xf32>
        %add3A_160 = arith.constant 32 : i32
        %add3A_161 = arith.addi %mul3A_150, %add3A_160 : i32
        %get3A_162 = arith.index_cast %add3A_161 : i32 to index
        %get3A_163 = tpu.vector_load %arg7[%get3A_162] {strides = array<i32>} : memref<41984xf32, #tpu.memory_space<vmem>>, vector<16xf32>,
        %get3A_164 = vector.shape_cast %get3A_163 : vector<16xf32> to vector<16xf32>
        %add3A_165 = arith.constant 48 : i32
        %add3A_166 = arith.addi %mul3A_150, %add3A_165 : i32
        %get3A_167 = arith.index_cast %add3A_166 : i32 to index
        %get3A_168 = tpu.vector_load %arg7[%get3A_167] {strides = array<i32>} : memref<41984xf32, #tpu.memory_space<vmem>>, vector<16xf32>,
        %get3A_169 = vector.shape_cast %get3A_168 : vector<16xf32> to vector<16xf32>
        %add3A_170 = arith.constant 64 : i32
        %add3A_171 = arith.addi %mul3A_150, %add3A_170 : i32
        %get3A_172 = arith.index_cast %add3A_171 : i32 to index
        %get3A_173 = tpu.vector_load %arg7[%get3A_172] {strides = array<i32>} : memref<41984xf32, #tpu.memory_space<vmem>>, vector<16xf32>,
        %get3A_174 = vector.shape_cast %get3A_173 : vector<16xf32> to vector<16xf32>
        %add3A_175 = arith.constant 80 : i32
        %add3A_176 = arith.addi %mul3A_150, %add3A_175 : i32
        %get3A_177 = arith.index_cast %add3A_176 : i32 to index
        %get3A_178 = tpu.vector_load %arg7[%get3A_177] {strides = array<i32>} : memref<41984xf32, #tpu.memory_space<vmem>>, vector<16xf32>,
        %get3A_179 = vector.shape_cast %get3A_178 : vector<16xf32> to vector<16xf32>
        %add3A_180 = arith.constant 96 : i32
        %add3A_181 = arith.addi %mul3A_150, %add3A_180 : i32
        %get3A_182 = arith.index_cast %add3A_181 : i32 to index
        %get3A_183 = tpu.vector_load %arg7[%get3A_182] {strides = array<i32>} : memref<41984xf32, #tpu.memory_space<vmem>>, vector<16xf32>,
        %get3A_184 = vector.shape_cast %get3A_183 : vector<16xf32> to vector<16xf32>
        %add3A_185 = arith.constant 112 : i32
        %add3A_186 = arith.addi %mul3A_150, %add3A_185 : i32
        %get3A_187 = arith.index_cast %add3A_186 : i32 to index
        %get3A_188 = tpu.vector_load %arg7[%get3A_187] {strides = array<i32>} : memref<41984xf32, #tpu.memory_space<vmem>>, vector<16xf32>,
        %get3A_189 = vector.shape_cast %get3A_188 : vector<16xf32> to vector<16xf32>
        %swap3A = arith.constant 1 : i32
        %swap3A_190 = arith.index_cast %swap3A : i32 to index
        %swap3A_191 = arith.index_cast %scan3A_147 : i32 to index
        %swap3A_192 = arith.constant 0 : index
        %swap3A_193 = tpu.vector_load %arg8[%swap3A_190, %swap3A_191, %swap3A_192] {strides = array<i32>} : memref<2x128x128xf32, #tpu.memory_space<vmem>>, vector<1x1x16xf32>,
        %swap3A_194 = vector.shape_cast %swap3A_193 : vector<1x1x16xf32> to vector<16xf32>
        %swap3A_195 = vector.shape_cast %get3A_154 : vector<16xf32> to vector<1x1x16xf32>
        tpu.vector_store %arg8[%swap3A_190, %swap3A_191, %swap3A_192], %swap3A_195 {add = true, strides = array<i32>} : memref<2x128x128xf32, #tpu.memory_space<vmem>>, vector<1x1x16xf32>,
        %swap3A_196 = arith.constant 1 : i32
        %swap3A_197 = arith.index_cast %swap3A_196 : i32 to index
        %swap3A_198 = arith.index_cast %scan3A_147 : i32 to index
        %swap3A_199 = arith.constant 16 : index
        %swap3A_200 = tpu.vector_load %arg8[%swap3A_197, %swap3A_198, %swap3A_199] {strides = array<i32>} : memref<2x128x128xf32, #tpu.memory_space<vmem>>, vector<1x1x16xf32>,
        %swap3A_201 = vector.shape_cast %swap3A_200 : vector<1x1x16xf32> to vector<16xf32>
        %swap3A_202 = vector.shape_cast %get3A_159 : vector<16xf32> to vector<1x1x16xf32>
        tpu.vector_store %arg8[%swap3A_197, %swap3A_198, %swap3A_199], %swap3A_202 {add = true, strides = array<i32>} : memref<2x128x128xf32, #tpu.memory_space<vmem>>, vector<1x1x16xf32>,
        %swap3A_203 = arith.constant 1 : i32
        %swap3A_204 = arith.index_cast %swap3A_203 : i32 to index
        %swap3A_205 = arith.index_cast %scan3A_147 : i32 to index
        %swap3A_206 = arith.constant 32 : index
        %swap3A_207 = tpu.vector_load %arg8[%swap3A_204, %swap3A_205, %swap3A_206] {strides = array<i32>} : memref<2x128x128xf32, #tpu.memory_space<vmem>>, vector<1x1x16xf32>,
        %swap3A_208 = vector.shape_cast %swap3A_207 : vector<1x1x16xf32> to vector<16xf32>
        %swap3A_209 = vector.shape_cast %get3A_164 : vector<16xf32> to vector<1x1x16xf32>
        tpu.vector_store %arg8[%swap3A_204, %swap3A_205, %swap3A_206], %swap3A_209 {add = true, strides = array<i32>} : memref<2x128x128xf32, #tpu.memory_space<vmem>>, vector<1x1x16xf32>,
        %swap3A_210 = arith.constant 1 : i32
        %swap3A_211 = arith.index_cast %swap3A_210 : i32 to index
        %swap3A_212 = arith.index_cast %scan3A_147 : i32 to index
        %swap3A_213 = arith.constant 48 : index
        %swap3A_214 = tpu.vector_load %arg8[%swap3A_211, %swap3A_212, %swap3A_213] {strides = array<i32>} : memref<2x128x128xf32, #tpu.memory_space<vmem>>, vector<1x1x16xf32>,
        %swap3A_215 = vector.shape_cast %swap3A_214 : vector<1x1x16xf32> to vector<16xf32>
        %swap3A_216 = vector.shape_cast %get3A_169 : vector<16xf32> to vector<1x1x16xf32>
        tpu.vector_store %arg8[%swap3A_211, %swap3A_212, %swap3A_213], %swap3A_216 {add = true, strides = array<i32>} : memref<2x128x128xf32, #tpu.memory_space<vmem>>, vector<1x1x16xf32>,
        %swap3A_217 = arith.constant 1 : i32
        %swap3A_218 = arith.index_cast %swap3A_217 : i32 to index
        %swap3A_219 = arith.index_cast %scan3A_147 : i32 to index
        %swap3A_220 = arith.constant 64 : index
        %swap3A_221 = tpu.vector_load %arg8[%swap3A_218, %swap3A_219, %swap3A_220] {strides = array<i32>} : memref<2x128x128xf32, #tpu.memory_space<vmem>>, vector<1x1x16xf32>,
        %swap3A_222 = vector.shape_cast %swap3A_221 : vector<1x1x16xf32> to vector<16xf32>
        %swap3A_223 = vector.shape_cast %get3A_174 : vector<16xf32> to vector<1x1x16xf32>
        tpu.vector_store %arg8[%swap3A_218, %swap3A_219, %swap3A_220], %swap3A_223 {add = true, strides = array<i32>} : memref<2x128x128xf32, #tpu.memory_space<vmem>>, vector<1x1x16xf32>,
        %swap3A_224 = arith.constant 1 : i32
        %swap3A_225 = arith.index_cast %swap3A_224 : i32 to index
        %swap3A_226 = arith.index_cast %scan3A_147 : i32 to index
        %swap3A_227 = arith.constant 80 : index
        %swap3A_228 = tpu.vector_load %arg8[%swap3A_225, %swap3A_226, %swap3A_227] {strides = array<i32>} : memref<2x128x128xf32, #tpu.memory_space<vmem>>, vector<1x1x16xf32>,
        %swap3A_229 = vector.shape_cast %swap3A_228 : vector<1x1x16xf32> to vector<16xf32>
        %swap3A_230 = vector.shape_cast %get3A_179 : vector<16xf32> to vector<1x1x16xf32>
        tpu.vector_store %arg8[%swap3A_225, %swap3A_226, %swap3A_227], %swap3A_230 {add = true, strides = array<i32>} : memref<2x128x128xf32, #tpu.memory_space<vmem>>, vector<1x1x16xf32>,
        %swap3A_231 = arith.constant 1 : i32
        %swap3A_232 = arith.index_cast %swap3A_231 : i32 to index
        %swap3A_233 = arith.index_cast %scan3A_147 : i32 to index
        %swap3A_234 = arith.constant 96 : index
        %swap3A_235 = tpu.vector_load %arg8[%swap3A_232, %swap3A_233, %swap3A_234] {strides = array<i32>} : memref<2x128x128xf32, #tpu.memory_space<vmem>>, vector<1x1x16xf32>,
        %swap3A_236 = vector.shape_cast %swap3A_235 : vector<1x1x16xf32> to vector<16xf32>
        %swap3A_237 = vector.shape_cast %get3A_184 : vector<16xf32> to vector<1x1x16xf32>
        tpu.vector_store %arg8[%swap3A_232, %swap3A_233, %swap3A_234], %swap3A_237 {add = true, strides = array<i32>} : memref<2x128x128xf32, #tpu.memory_space<vmem>>, vector<1x1x16xf32>,
        %swap3A_238 = arith.constant 1 : i32
        %swap3A_239 = arith.index_cast %swap3A_238 : i32 to index
        %swap3A_240 = arith.index_cast %scan3A_147 : i32 to index
        %swap3A_241 = arith.constant 112 : index
        %swap3A_242 = tpu.vector_load %arg8[%swap3A_239, %swap3A_240, %swap3A_241] {strides = array<i32>} : memref<2x128x128xf32, #tpu.memory_space<vmem>>, vector<1x1x16xf32>,
        %swap3A_243 = vector.shape_cast %swap3A_242 : vector<1x1x16xf32> to vector<16xf32>
        %swap3A_244 = vector.shape_cast %get3A_189 : vector<16xf32> to vector<1x1x16xf32>
        tpu.vector_store %arg8[%swap3A_239, %swap3A_240, %swap3A_241], %swap3A_244 {add = true, strides = array<i32>} : memref<2x128x128xf32, #tpu.memory_space<vmem>>, vector<1x1x16xf32>,
        %scan3A_245 = arith.constant 1 : i32
        %scan3A_246 = arith.addi %scan3A_147, %scan3A_245 : i32
        %add3A_247 = arith.addi %rem3A_106, %scan3A_246 : i32
        %mul3A_248 = arith.constant 128 : i32
        %mul3A_249 = arith.muli %add3A_247, %mul3A_248 : i32
        %add3A_250 = arith.constant 0 : i32
        %add3A_251 = arith.addi %mul3A_249, %add3A_250 : i32
        %get3A_252 = arith.index_cast %add3A_251 : i32 to index
        %get3A_253 = tpu.vector_load %arg7[%get3A_252] {strides = array<i32>} : memref<41984xf32, #tpu.memory_space<vmem>>, vector<16xf32>,
        %get3A_254 = vector.shape_cast %get3A_253 : vector<16xf32> to vector<16xf32>
        %add3A_255 = arith.constant 16 : i32
        %add3A_256 = arith.addi %mul3A_249, %add3A_255 : i32
        %get3A_257 = arith.index_cast %add3A_256 : i32 to index
        %get3A_258 = tpu.vector_load %arg7[%get3A_257] {strides = array<i32>} : memref<41984xf32, #tpu.memory_space<vmem>>, vector<16xf32>,
        %get3A_259 = vector.shape_cast %get3A_258 : vector<16xf32> to vector<16xf32>
        %add3A_260 = arith.constant 32 : i32
        %add3A_261 = arith.addi %mul3A_249, %add3A_260 : i32
        %get3A_262 = arith.index_cast %add3A_261 : i32 to index
        %get3A_263 = tpu.vector_load %arg7[%get3A_262] {strides = array<i32>} : memref<41984xf32, #tpu.memory_space<vmem>>, vector<16xf32>,
        %get3A_264 = vector.shape_cast %get3A_263 : vector<16xf32> to vector<16xf32>
        %add3A_265 = arith.constant 48 : i32
        %add3A_266 = arith.addi %mul3A_249, %add3A_265 : i32
        %get3A_267 = arith.index_cast %add3A_266 : i32 to index
        %get3A_268 = tpu.vector_load %arg7[%get3A_267] {strides = array<i32>} : memref<41984xf32, #tpu.memory_space<vmem>>, vector<16xf32>,
        %get3A_269 = vector.shape_cast %get3A_268 : vector<16xf32> to vector<16xf32>
        %add3A_270 = arith.constant 64 : i32
        %add3A_271 = arith.addi %mul3A_249, %add3A_270 : i32
        %get3A_272 = arith.index_cast %add3A_271 : i32 to index
        %get3A_273 = tpu.vector_load %arg7[%get3A_272] {strides = array<i32>} : memref<41984xf32, #tpu.memory_space<vmem>>, vector<16xf32>,
        %get3A_274 = vector.shape_cast %get3A_273 : vector<16xf32> to vector<16xf32>
        %add3A_275 = arith.constant 80 : i32
        %add3A_276 = arith.addi %mul3A_249, %add3A_275 : i32
        %get3A_277 = arith.index_cast %add3A_276 : i32 to index
        %get3A_278 = tpu.vector_load %arg7[%get3A_277] {strides = array<i32>} : memref<41984xf32, #tpu.memory_space<vmem>>, vector<16xf32>,
        %get3A_279 = vector.shape_cast %get3A_278 : vector<16xf32> to vector<16xf32>
        %add3A_280 = arith.constant 96 : i32
        %add3A_281 = arith.addi %mul3A_249, %add3A_280 : i32
        %get3A_282 = arith.index_cast %add3A_281 : i32 to index
        %get3A_283 = tpu.vector_load %arg7[%get3A_282] {strides = array<i32>} : memref<41984xf32, #tpu.memory_space<vmem>>, vector<16xf32>,
        %get3A_284 = vector.shape_cast %get3A_283 : vector<16xf32> to vector<16xf32>
        %add3A_285 = arith.constant 112 : i32
        %add3A_286 = arith.addi %mul3A_249, %add3A_285 : i32
        %get3A_287 = arith.index_cast %add3A_286 : i32 to index
        %get3A_288 = tpu.vector_load %arg7[%get3A_287] {strides = array<i32>} : memref<41984xf32, #tpu.memory_space<vmem>>, vector<16xf32>,
        %get3A_289 = vector.shape_cast %get3A_288 : vector<16xf32> to vector<16xf32>
        %swap3A_290 = arith.constant 1 : i32
        %swap3A_291 = arith.index_cast %swap3A_290 : i32 to index
        %swap3A_292 = arith.index_cast %scan3A_246 : i32 to index
        %swap3A_293 = arith.constant 0 : index
        %swap3A_294 = tpu.vector_load %arg8[%swap3A_291, %swap3A_292, %swap3A_293] {strides = array<i32>} : memref<2x128x128xf32, #tpu.memory_space<vmem>>, vector<1x1x16xf32>,
        %swap3A_295 = vector.shape_cast %swap3A_294 : vector<1x1x16xf32> to vector<16xf32>
        %swap3A_296 = vector.shape_cast %get3A_254 : vector<16xf32> to vector<1x1x16xf32>
        tpu.vector_store %arg8[%swap3A_291, %swap3A_292, %swap3A_293], %swap3A_296 {add = true, strides = array<i32>} : memref<2x128x128xf32, #tpu.memory_space<vmem>>, vector<1x1x16xf32>,
        %swap3A_297 = arith.constant 1 : i32
        %swap3A_298 = arith.index_cast %swap3A_297 : i32 to index
        %swap3A_299 = arith.index_cast %scan3A_246 : i32 to index
        %swap3A_300 = arith.constant 16 : index
        %swap3A_301 = tpu.vector_load %arg8[%swap3A_298, %swap3A_299, %swap3A_300] {strides = array<i32>} : memref<2x128x128xf32, #tpu.memory_space<vmem>>, vector<1x1x16xf32>,
        %swap3A_302 = vector.shape_cast %swap3A_301 : vector<1x1x16xf32> to vector<16xf32>
        %swap3A_303 = vector.shape_cast %get3A_259 : vector<16xf32> to vector<1x1x16xf32>
        tpu.vector_store %arg8[%swap3A_298, %swap3A_299, %swap3A_300], %swap3A_303 {add = true, strides = array<i32>} : memref<2x128x128xf32, #tpu.memory_space<vmem>>, vector<1x1x16xf32>,
        %swap3A_304 = arith.constant 1 : i32
        %swap3A_305 = arith.index_cast %swap3A_304 : i32 to index
        %swap3A_306 = arith.index_cast %scan3A_246 : i32 to index
        %swap3A_307 = arith.constant 32 : index
        %swap3A_308 = tpu.vector_load %arg8[%swap3A_305, %swap3A_306, %swap3A_307] {strides = array<i32>} : memref<2x128x128xf32, #tpu.memory_space<vmem>>, vector<1x1x16xf32>,
        %swap3A_309 = vector.shape_cast %swap3A_308 : vector<1x1x16xf32> to vector<16xf32>
        %swap3A_310 = vector.shape_cast %get3A_264 : vector<16xf32> to vector<1x1x16xf32>
        tpu.vector_store %arg8[%swap3A_305, %swap3A_306, %swap3A_307], %swap3A_310 {add = true, strides = array<i32>} : memref<2x128x128xf32, #tpu.memory_space<vmem>>, vector<1x1x16xf32>,
        %swap3A_311 = arith.constant 1 : i32
        %swap3A_312 = arith.index_cast %swap3A_311 : i32 to index
        %swap3A_313 = arith.index_cast %scan3A_246 : i32 to index
        %swap3A_314 = arith.constant 48 : index
        %swap3A_315 = tpu.vector_load %arg8[%swap3A_312, %swap3A_313, %swap3A_314] {strides = array<i32>} : memref<2x128x128xf32, #tpu.memory_space<vmem>>, vector<1x1x16xf32>,
        %swap3A_316 = vector.shape_cast %swap3A_315 : vector<1x1x16xf32> to vector<16xf32>
        %swap3A_317 = vector.shape_cast %get3A_269 : vector<16xf32> to vector<1x1x16xf32>
        tpu.vector_store %arg8[%swap3A_312, %swap3A_313, %swap3A_314], %swap3A_317 {add = true, strides = array<i32>} : memref<2x128x128xf32, #tpu.memory_space<vmem>>, vector<1x1x16xf32>,
        %swap3A_318 = arith.constant 1 : i32
        %swap3A_319 = arith.index_cast %swap3A_318 : i32 to index
        %swap3A_320 = arith.index_cast %scan3A_246 : i32 to index
        %swap3A_321 = arith.constant 64 : index
        %swap3A_322 = tpu.vector_load %arg8[%swap3A_319, %swap3A_320, %swap3A_321] {strides = array<i32>} : memref<2x128x128xf32, #tpu.memory_space<vmem>>, vector<1x1x16xf32>,
        %swap3A_323 = vector.shape_cast %swap3A_322 : vector<1x1x16xf32> to vector<16xf32>
        %swap3A_324 = vector.shape_cast %get3A_274 : vector<16xf32> to vector<1x1x16xf32>
        tpu.vector_store %arg8[%swap3A_319, %swap3A_320, %swap3A_321], %swap3A_324 {add = true, strides = array<i32>} : memref<2x128x128xf32, #tpu.memory_space<vmem>>, vector<1x1x16xf32>,
        %swap3A_325 = arith.constant 1 : i32
        %swap3A_326 = arith.index_cast %swap3A_325 : i32 to index
        %swap3A_327 = arith.index_cast %scan3A_246 : i32 to index
        %swap3A_328 = arith.constant 80 : index
        %swap3A_329 = tpu.vector_load %arg8[%swap3A_326, %swap3A_327, %swap3A_328] {strides = array<i32>} : memref<2x128x128xf32, #tpu.memory_space<vmem>>, vector<1x1x16xf32>,
        %swap3A_330 = vector.shape_cast %swap3A_329 : vector<1x1x16xf32> to vector<16xf32>
        %swap3A_331 = vector.shape_cast %get3A_279 : vector<16xf32> to vector<1x1x16xf32>
        tpu.vector_store %arg8[%swap3A_326, %swap3A_327, %swap3A_328], %swap3A_331 {add = true, strides = array<i32>} : memref<2x128x128xf32, #tpu.memory_space<vmem>>, vector<1x1x16xf32>,
        %swap3A_332 = arith.constant 1 : i32
        %swap3A_333 = arith.index_cast %swap3A_332 : i32 to index
        %swap3A_334 = arith.index_cast %scan3A_246 : i32 to index
        %swap3A_335 = arith.constant 96 : index
        %swap3A_336 = tpu.vector_load %arg8[%swap3A_333, %swap3A_334, %swap3A_335] {strides = array<i32>} : memref<2x128x128xf32, #tpu.memory_space<vmem>>, vector<1x1x16xf32>,
        %swap3A_337 = vector.shape_cast %swap3A_336 : vector<1x1x16xf32> to vector<16xf32>
        %swap3A_338 = vector.shape_cast %get3A_284 : vector<16xf32> to vector<1x1x16xf32>
        tpu.vector_store %arg8[%swap3A_333, %swap3A_334, %swap3A_335], %swap3A_338 {add = true, strides = array<i32>} : memref<2x128x128xf32, #tpu.memory_space<vmem>>, vector<1x1x16xf32>,
        %swap3A_339 = arith.constant 1 : i32
        %swap3A_340 = arith.index_cast %swap3A_339 : i32 to index
        %swap3A_341 = arith.index_cast %scan3A_246 : i32 to index
        %swap3A_342 = arith.constant 112 : index
        %swap3A_343 = tpu.vector_load %arg8[%swap3A_340, %swap3A_341, %swap3A_342] {strides = array<i32>} : memref<2x128x128xf32, #tpu.memory_space<vmem>>, vector<1x1x16xf32>,
        %swap3A_344 = vector.shape_cast %swap3A_343 : vector<1x1x16xf32> to vector<16xf32>
        %swap3A_345 = vector.shape_cast %get3A_289 : vector<16xf32> to vector<1x1x16xf32>
        tpu.vector_store %arg8[%swap3A_340, %swap3A_341, %swap3A_342], %swap3A_345 {add = true, strides = array<i32>} : memref<2x128x128xf32, #tpu.memory_space<vmem>>, vector<1x1x16xf32>,
      }
      %scan3A_112 = arith.constant 128 : i32
      %mul3A_113 = arith.constant 128 : i32
      %mul3A_114 = arith.muli %add3A_91, %mul3A_113 : i32
      %add3A_115 = arith.addi %mul3A_2, %mul3A_114 : i32
      %dma_start3A_116 = arith.constant 1 : i32
      %dma_start3A_117 = arith.constant 0 : i32
      %dma_start3A_118 = arith.constant 0 : i32
      %dma_start3A_119 = tpu.memref_slice %arg8[%dma_start3A_116, %dma_start3A_117, %dma_start3A_118] : memref<2x128x128xf32, #tpu.memory_space<vmem>> -> memref<1x128x128xf32, #tpu.memory_space<vmem>>
      %dma_start3A_120 = tpu.memref_squeeze %dma_start3A_119 : memref<1x128x128xf32, #tpu.memory_space<vmem>> -> memref<128x128xf32, #tpu.memory_space<vmem>>
      %dma_start3A_121 = arith.constant 0 : i32
      %dma_start3A_122 = tpu.memref_slice %arg5[%add3A_115, %dma_start3A_121] : memref<819200x128xf32, #tpu.memory_space<hbm>> -> memref<128x128xf32, #tpu.memory_space<hbm>>
      %dma_start3A_123 = arith.constant 0 : i32
      %dma_start3A_124 = tpu.memref_slice %arg5[%add3A_115, %dma_start3A_123] : memref<819200x128xf32, #tpu.memory_space<hbm>> -> memref<128x128xf32, #tpu.memory_space<hbm>>
      %dma_start3A_125 = arith.constant 0 : i32
      %dma_start3A_126 = arith.constant 0 : i32
      %dma_start3A_127 = tpu.memref_slice %arg8[%dma_start3A_116, %dma_start3A_125, %dma_start3A_126] : memref<2x128x128xf32, #tpu.memory_space<vmem>> -> memref<1x128x128xf32, #tpu.memory_space<vmem>>
      %dma_start3A_128 = tpu.memref_squeeze %dma_start3A_127 : memref<1x128x128xf32, #tpu.memory_space<vmem>> -> memref<128x128xf32, #tpu.memory_space<vmem>>
      tpu.enqueue_dma source(%dma_start3A_128 : memref<128x128xf32, #tpu.memory_space<vmem>>) target(%dma_start3A_124 : memref<128x128xf32, #tpu.memory_space<hbm>>) target_semaphore(%arg12 : memref<!tpu.dma_semaphore, #tpu.memory_space<semaphore_mem>>)
      %dma_wait3A_129 = arith.constant 1 : i32
      %dma_wait3A_130 = arith.constant 0 : i32
      %dma_wait3A_131 = arith.constant 0 : i32
      %dma_wait3A_132 = tpu.memref_slice %arg8[%dma_wait3A_129, %dma_wait3A_130, %dma_wait3A_131] : memref<2x128x128xf32, #tpu.memory_space<vmem>> -> memref<1x128x128xf32, #tpu.memory_space<vmem>>
      %dma_wait3A_133 = tpu.memref_squeeze %dma_wait3A_132 : memref<1x128x128xf32, #tpu.memory_space<vmem>> -> memref<128x128xf32, #tpu.memory_space<vmem>>
      %dma_wait3A_134 = arith.constant 0 : i32
      %dma_wait3A_135 = tpu.memref_slice %arg5[%add3A_115, %dma_wait3A_134] : memref<819200x128xf32, #tpu.memory_space<hbm>> -> memref<128x128xf32, #tpu.memory_space<hbm>>
      %dma_wait3A_136 = arith.constant 0 : i32
      %dma_wait3A_137 = tpu.memref_slice %arg5[%add3A_115, %dma_wait3A_136] : memref<819200x128xf32, #tpu.memory_space<hbm>> -> memref<128x128xf32, #tpu.memory_space<hbm>>
      %dma_wait3A_138 = arith.constant 0 : i32
      %dma_wait3A_139 = arith.constant 0 : i32
      %dma_wait3A_140 = tpu.memref_slice %arg8[%dma_wait3A_129, %dma_wait3A_138, %dma_wait3A_139] : memref<2x128x128xf32, #tpu.memory_space<vmem>> -> memref<1x128x128xf32, #tpu.memory_space<vmem>>
      %dma_wait3A_141 = tpu.memref_squeeze %dma_wait3A_140 : memref<1x128x128xf32, #tpu.memory_space<vmem>> -> memref<128x128xf32, #tpu.memory_space<vmem>>
      tpu.wait_dma2 semaphore(%arg12 : memref<!tpu.dma_semaphore, #tpu.memory_space<semaphore_mem>>) src(%dma_wait3A_141 : memref<128x128xf32, #tpu.memory_space<vmem>>) dst(%dma_wait3A_137 : memref<128x128xf32, #tpu.memory_space<hbm>>)
      %lt3A_142 = arith.constant 198 : i32
      %lt3A_143 = arith.cmpi slt, %add3A_91, %lt3A_142 : i32
      %convert_element_type3A_144 = arith.extui %lt3A_143 : i1 to i32
      %cond3A_145 = arith.constant 0 : i32
      %cond3A_146 = arith.cmpi ne, %convert_element_type3A_144, %cond3A_145 : i32
      scf.if %cond3A_146 {
        %add3A_147 = arith.constant 2 : i32
        %add3A_148 = arith.addi %add3A_91, %add3A_147 : i32
        %dma_start3A_149 = arith.constant 1 : i32
        %dma_start3A_150 = arith.constant 0 : i32
        %dma_start3A_151 = arith.constant 0 : i32
        %dma_start3A_152 = tpu.memref_slice %arg8[%dma_start3A_149, %dma_start3A_150, %dma_start3A_151] : memref<2x128x128xf32, #tpu.memory_space<vmem>> -> memref<1x128x128xf32, #tpu.memory_space<vmem>>
        %dma_start3A_153 = tpu.memref_squeeze %dma_start3A_152 : memref<1x128x128xf32, #tpu.memory_space<vmem>> -> memref<128x128xf32, #tpu.memory_space<vmem>>
        %dma_start3A_154 = arith.constant 0 : i32
        %dma_start3A_155 = tpu.memref_slice %arg6[%add3A_148, %dma_start3A_154] : memref<200x128xi32, #tpu.memory_space<vmem>> -> memref<1x128xi32, #tpu.memory_space<vmem>>
        %dma_start3A_156 = tpu.memref_squeeze %dma_start3A_155 : memref<1x128xi32, #tpu.memory_space<vmem>> -> memref<128xi32, #tpu.memory_space<vmem>>
        %dma_start3A_157 = arith.constant 0 : i32
        %dma_start3A_158 = arith.constant 0 : i32
        %dma_start3A_159 = tpu.memref_slice %arg3[%dma_start3A_157, %dma_start3A_158] : memref<100000x128xf32, #tpu.memory_space<hbm>> -> memref<100000x128xf32, #tpu.memory_space<hbm>>
        tpu.enqueue_indirect_dma source(%dma_start3A_159 : memref<100000x128xf32, #tpu.memory_space<hbm>>) target(%dma_start3A_153 : memref<128x128xf32, #tpu.memory_space<vmem>>) offsets(%dma_start3A_156 : memref<128xi32, #tpu.memory_space<vmem>>) semaphore(%arg10 : memref<!tpu.dma_semaphore, #tpu.memory_space<semaphore_mem>>)
      } else {
      }
    }
    %scan3A_32 = arith.constant 100 : i32
    return
  }
}

</mosaic_0001>

<sc_bundles>
// kernel: kernel.3.cloned.1.call-start
scs
__scs_entry_jumppad:
0x0: {  	(pc) =	sbr.rel $0x88, $3  }
0x1: {  	(tag) =	ssettag $0x0;
	lr =	simm.s32 $0x1  }
0x2: {  	[smem:$0x3F9E] =	sst lr;
	_ =	strace $0xD0000000  }
0x3: {  	_ = 	snop  }
0x4: {  	_ = 	snop  }
0x5: {  	_ = 	snop  }
0x6: {  	_ = 	snop  }
0x7: {  	_ = 	snop  }
__scs_overlays_trampoline_lowered:
0x8: {  	[smem:$0x3FAD] =	sst s0  }
0x9: {  	[smem:$0x3FAE] =	sst s1  }
0xa: {  	[smem:$0x3FAF] =	sst s2  }
0xb: {  	[smem:$0x3FB0] =	sst s3  }
0xc: {  	[smem:$0x3FB1] =	sst s4  }
0xd: {  	[smem:$0x3FB2] =	sst s5  }
0xe: {  	[smem:$0x3FB3] =	sst s6  }
0xf: {  	[smem:$0x3FB4] =	sst s7  }
0x10: {  	[smem:$0x3FB5] =	sst s8  }
0x11: {  	[smem:$0x3FB6] =	sst s9;
	s0 =	simm.s32 @!p0 $0x0  }
0x12: {  	s1 =	sld [smem:$0x3F9C];
	s0 =	simm.s32 @p0 $0x1  }
0x13: {  	[smem:$0x3FB7] =	sst s0;
	s0 =	simm.s32 @!p1 $0x0  }
0x14: {  	s2 =	sld [smem:$0x3F9B];
	s0 =	simm.s32 @p1 $0x1  }
0x15: {  	[smem:$0x3FB8] =	sst s0;
	s0 =	simm.s32 @!p2 $0x0  }
0x16: {  	s3 =	sld [smem:$0x3FDB];
	s0 =	simm.s32 @p2 $0x1  }
0x17: {  	s4 =	simm.s32 $0x1BF5;
	[smem:$0x3FBA] =	sst s0  }
0x18: {  	s0 =	sld [smem:$0x3F9D];
	_ =	swait.ge [sflag:s4], $0x0  }
0x19: {  	s7 =	sld [smem:$0x3F9E]  }
0x1a: {  	s8 =	sadd.s32 $0xFFFFE003, lr  }
0x1b: {  	s9 =	sadd.s32 $0xFFFFFEF7, lr;
	s5 =	simm.s32 $0xFFFFFFFF;
	p2 =	slt.u32 s8, $0xFFFFF086  }
0x1c: {  	p1 =	slt.u32 s9, $0xF7A;
	s5 =	simm.s32 @!p2 $0x0  }
0x1d: {  	s5 =	simm.s32 @p1 $0x1;
	p0 =	seq.s32 s7, s2  }
0x1e: {  	s7 =	smul.u32 @!p0 $0xF7A, s2;
	p2 =	seq.s32 @!p0 s5, $0x0  }
0x1f: {  	s9 =	smul.u32 $0xF7A, s1;
	s8 =	simm.s32 @!p0 $0x1BF5;
	p2 =	por !p2, p0  }
0x20: {  	[sflag:s8] =	ssyncset.s32 @!p0 $0xFFFFF086;
	s6 =	sadd.s32 @!p0 s3, s7;
	s7 =	simm.s32 @!p0 $0x108  }
0x21: {  	s3 =	sadd.s32 s3, s9;
	s6 =	sadd.s32 @!p0 $0x88, s6;
	s7 =	simm.s32 @p2 $0x1082  }
0x22: {  	[simem:s7], [sflag:s8] =	dma.local @!p0 [hbm:s6], $0xF7A  }
0x23: {  	s9 =	sor.u32 $0xD0000000, s2;
	s6 =	simm.s32 $0x108;
	_ =	swait.ge @!p0 [sflag:s8], $0x0  }
0x24: {  	s3 =	sadd.s32 $0x88, s3;
	s6 =	simm.s32 @!p1 $0x1082;
	[sflag:s4] =	ssyncset.s32 $0xFFFFF086  }
0x25: {  	[simem:s6], [sflag:s4] =	dma.local [hbm:s3], $0xF7A  }
0x26: {  	[smem:$0x3F9E] =	sst s1;
	(tag) =	ssettag s2;
	_ =	strace s9  }
0x27: {  	s1 =	sld [smem:$0x3FAE]  }
0x28: {  	s2 =	sld [smem:$0x3FAF]  }
0x29: {  	s4 =	sld [smem:$0x3FB1]  }
0x2a: {  	p0 =	seq.s32 s5, $0x0;
	s5 =	sld [smem:$0x3FB2]  }
0x2b: {  	s6 =	sld [smem:$0x3FB3]  }
0x2c: {  	s7 =	sld [smem:$0x3FB4]  }
0x2d: {  	s3 =	simm.s32 $0x108;
	s8 =	sld [smem:$0x3FB5]  }
0x2e: {  	s3 =	simm.s32 @!p0 $0x1082;
	s9 =	sld [smem:$0x3FB6]  }
0x2f: {  	lr =	sadd.s32 s0, s3;
	s0 =	sld [smem:$0x3FAD]  }
0x30: {  	s3 =	sld [smem:$0x3FB0]  }
0x31: {  	[smem:$0x3FB9] =	sst s10  }
0x32: {  	s10 =	sld [smem:$0x3FB7];
	_ =	sdelay $0x3  }
0x33: {  	p0 =	seq.s32 s10, $0x1;
	s10 =	sld [smem:$0x3FB9];
	_ =	sdelay $0x3  }
0x34: {  	[smem:$0x3FB9] =	sst s10  }
0x35: {  	s10 =	sld [smem:$0x3FB8];
	_ =	sdelay $0x3  }
0x36: {  	p1 =	seq.s32 s10, $0x1;
	s10 =	sld [smem:$0x3FB9];
	_ =	sdelay $0x3  }
0x37: {  	[smem:$0x3FB9] =	sst s10  }
0x38: {  	s10 =	sld [smem:$0x3FBA]  }
0x39: {  	_ = 	snop;
	(pc) =	sbr.ind lr, $3  }
0x3a: {  	_ = 	snop  }
0x3b: {  	_ = 	snop  }
0x3c: {  	p2 =	seq.s32 s10, $0x1;
	s10 =	sld [smem:$0x3FB9]  }
0x3d: {  	_ =	shalt  }
0x3e: {  	_ =	shalt  }
0x3f: {  	_ =	shalt  }
0x40: {  	_ =	shalt  }
0x41: {  	_ =	shalt  }
0x42: {  	_ =	shalt  }
0x43: {  	_ =	shalt  }
0x44: {  	_ =	shalt  }
0x45: {  	_ =	shalt  }
0x46: {  	_ =	shalt  }
0x47: {  	_ =	shalt  }
0x48: {  	_ =	shalt  }
0x49: {  	_ =	shalt  }
0x4a: {  	_ =	shalt  }
0x4b: {  	_ =	shalt  }
0x4c: {  	_ =	shalt  }
0x4d: {  	_ =	shalt  }
0x4e: {  	_ =	shalt  }
0x4f: {  	_ =	shalt  }
0x50: {  	_ =	shalt  }
0x51: {  	_ =	shalt  }
0x52: {  	_ =	shalt  }
0x53: {  	_ =	shalt  }
0x54: {  	_ =	shalt  }
0x55: {  	_ =	shalt  }
0x56: {  	_ =	shalt  }
0x57: {  	_ =	shalt  }
0x58: {  	_ =	shalt  }
0x59: {  	_ =	shalt  }
0x5a: {  	_ =	shalt  }
0x5b: {  	_ =	shalt  }
0x5c: {  	_ =	shalt  }
0x5d: {  	_ =	shalt  }
0x5e: {  	_ =	shalt  }
0x5f: {  	_ =	shalt  }
0x60: {  	_ =	shalt  }
0x61: {  	_ =	shalt  }
0x62: {  	_ =	shalt  }
0x63: {  	_ =	shalt  }
0x64: {  	_ =	shalt  }
0x65: {  	_ =	shalt  }
0x66: {  	_ =	shalt  }
0x67: {  	_ =	shalt  }
0x68: {  	_ =	shalt  }
0x69: {  	_ =	shalt  }
0x6a: {  	_ =	shalt  }
0x6b: {  	_ =	shalt  }
0x6c: {  	_ =	shalt  }
0x6d: {  	_ =	shalt  }
0x6e: {  	_ =	shalt  }
0x6f: {  	_ =	shalt  }
0x70: {  	_ =	shalt  }
0x71: {  	_ =	shalt  }
0x72: {  	_ =	shalt  }
0x73: {  	_ =	shalt  }
0x74: {  	_ =	shalt  }
0x75: {  	_ =	shalt  }
0x76: {  	_ =	shalt  }
0x77: {  	_ =	shalt  }
0x78: {  	_ =	shalt  }
0x79: {  	_ =	shalt  }
0x7a: {  	_ =	shalt  }
0x7b: {  	_ =	shalt  }
0x7c: {  	_ =	shalt  }
0x7d: {  	_ =	shalt  }
0x7e: {  	_ =	shalt  }
0x7f: {  	_ =	shalt  }
0x80: {  	_ =	shalt  }
0x81: {  	_ =	shalt  }
0x82: {  	_ =	shalt  }
0x83: {  	_ =	shalt  }
0x84: {  	_ =	shalt  }
0x85: {  	_ =	shalt  }
0x86: {  	_ =	shalt  }
0x87: {  	_ =	shalt  }
.Lfunc_end0:
.L_simem_size_0:
called_computation_lowered:
.L_overlay_start_0:
0x88: {  	s2 =	sld [smem:$0x3FD9]  }
0x89: {  	s3 =	sld [smem:$0x3FFE];
	_ =	sdelay $0x1  }
0x8a: {  	s1 =	srdreg.scid  }
0x8b: {  	s0 =	sand.u32 $0x1, s1  }
0x8c: {  	s17 =	sshll.u32 s0, $0xA;
	s2 =	sadd.s32 s3, s2  }
0x8d: {  	s2 =	sadd.s32 s2, s17  }
0x8e: {  	[smem:$0x3FC5] =	sst s2  }
0x8f: {  	_ = 	snop  }
0x90: {  	s2 =	sld [smem:$0x3FC8]  }
0x91: {  	s18 =	sld [smem:$0x3FD0];
	(tm) =	ssettm $0x1  }
0x92: {  	s4 =	sld [smem:$0x3FFB];
	_ =	sdelay $0x3  }
0x93: {  	_ =	strace s4  }
0x94: {  	s4 =	sld [smem:$0x3FFC];
	_ =	sdelay $0x3  }
0x95: {  	_ =	strace s4  }
0x96: {  	s4 =	sld [smem:$0x3FFD];
	_ =	sdelay $0x3  }
0x97: {  	_ =	strace s4  }
0x98: {  	_ =	strace $0x8FFFFFFF  }
0x99: {  	s19 =	sld [smem:$0x3FDB];
	_ =	sdelay $0x1  }
0x9a: {  	s5 =	simm.s32 $_scs_section_size  }
0x9b: {  	s6 =	simm.s32 $_size__tile_overlayer_lowered;
	s7 =	simm.s32 $_tile_overlayer_lowered  }
0x9c: {  	s22 =	simm.s32 $0x1BFF;
	s21 =	sshll.u32 s7, $0x1;
	s4 =	sadd.s32 s5, s19  }
0x9d: {  	s8 =	simm.s32 $0x0;
	s20 =	sshll.u32 s6, $0x1;
	s6 =	sadd.s32 s21, s4  }
0x9e: {  	[timem:s8], [sflag:s22] =	dma.local [hbm:s6], s20  }
0x9f: {  	_ =	swait.ge [sflag:s22], s20  }
0xa0: {  	s5 =	ssub.s32 $0x0, s20;
	[sflag:s22] =	ssyncset.done $0x0  }
0xa1: {  	[sflag:s22] =	ssyncadd.s32 s5;
	_ =	sdelay $0x1  }
0xa2: {  	s23 =	simm.s32 $0x1B8B  }
0xa3: {  	_ =	swait.ge [sflag:s23], $0x1  }
0xa4: {  	[sflag:s23] =	ssyncset.done $0x0  }
0xa5: {  	s25 =	simm.s32 $0x1B8E;
	s24 =	sld [smem:$0x3FFE];
	[sflag:s23] =	ssyncadd.s32 $0xFFFFFFFF  }
0xa6: {  	s26 =	simm.s32 $execute0_lowered;
	[smem:$0x3FD2] =	sst s25  }
0xa7: {  	s6 =	sshll.u32 s26, $0x1;
	_ =	strace $0x80000046;
	[dreg:$0x1] =	wrdreg $0xFFFFFFFF  }
0xa8: {  	s28 =	simm.s32 $_size_execute0_lowered;
	s4 =	sadd.s32 s4, s6;
	[dreg:$0x0] =	wrdreg $0x0  }
0xa9: {  	s6 =	sshll.u32 s28, $0x1;
	[dreg:$0x2] =	wrdreg s4  }
0xaa: {  	[dreg:$0x3] =	wrdreg s6  }
0xab: {  	[dreg:$0x4] =	wrdreg $0xC0  }
0xac: {  	_ =	task [dreg:s8], $0x5FFFF  }
0xad: {  	[dreg:$0x1] =	wrdreg $0xFFFFFFFF  }
0xae: {  	[dreg:$0x0] =	wrdreg $0x60  }
0xaf: {  	[dreg:$0x2] =	wrdreg s24  }
0xb0: {  	[dreg:$0x3] =	wrdreg s2  }
0xb1: {  	[dreg:$0x4] =	wrdreg s18  }
0xb2: {  	[dreg:$0x5] =	wrdreg $0x9  }
0xb3: {  	_ =	task.clear_ibuf [dreg:s8], $0x6FFFF;
	_ =	strace $0x90000046  }
0xb4: {  	s29 =	simm.s32 $0x9;
	_ =	strace $0x80000048  }
0xb5: {  	_ =	swait.ge [sflag:s29], $0x1  }
0xb6: {  	[sflag:s29] =	ssyncadd.s32 $0xFFFFFFFF  }
0xb7: {  	_ =	strace $0x90000048  }
0xb8: {  	_ =	sfence  }
0xb9: {  	s30 =	sld [smem:$0x0];
	_ =	sdelay $0x2  }
0xba: {  	s31 =	sshll.u32 s1, $0xD;
	s1 =	sshrl.u32 s1, $0x2  }
0xbb: {  	s3 =	sand.u32 $0x4000, s31;
	s1 =	sadd.s32 s1, s30  }
0xbc: {  	s0 =	sor.u32 s3, s0;
	s1 =	sshll.u32 s1, $0x11  }
0xbd: {  	s0 =	sor.u32 s1, s0  }
0xbe: {  	s0 =	sadd.s32 $0x8F2B, s0  }
0xbf: {  	[sflag:s0] =	ssyncadd.remote.s32 $0x1  }
0xc0: {  	_ =	sfence.sel $0xFFFF  }
0xc1: {  	[dreg:$0x0] =	wrdreg $0xFFFFFFFF;
	(pc) =	sbr.abs _section_cstart, $3  }
0xc2: {  	[dreg:$0x1] =	wrdreg $0xFFFFFFFF  }
0xc3: {  	_ =	task.clear_ibuf [dreg:s8], $0x2FFFF;
	_ =	strace $0x9FFFFFFF  }
0xc4: {  	(tm) =	ssettm $0x7FFFFFFF  }
0xc5: {  	_ =	shalt  }
tec
execute0_lowered:
.L_overlay_start_1:
0x0: {  	(tag) =	ssettag $0x1  }
0x1: {  	s5 =	rddreg [dreg:$0x0]  }
0x2: {  	s2 =	rddreg [dreg:$0x1]  }
0x3: {  	s1 =	srdreg.scid;
	s0 =	stileid.u32  }
0x4: {  	s3 =	rddreg [dreg:$0x2];
	s4 =	simm.s32 $0x0;
	s10 =	simm.s32 $0x10800  }
0x5: {  	s11 =	simm.s32 $0x14800;
	s12 =	simm.s32 $0x1;
	s13 =	simm.s32 $0x3  }
0x6: {  	s14 =	simm.s32 $0x2;
	s15 =	simm.s32 $0x4;
	s16 =	simm.s32 $0x80  }
0x7: {  	s17 =	simm.s32 $0x0;
	s6 =	sand.u32 $0x1, s1;
	s7 =	sshll.u32 s0, $0x1  }
.Ltmp0:
0x8: {  	s7 =	sor.u32 s6, s7;
	s6 =	ssub.s32 $0x2, s6;
	(pc) =	sbr.rel .LBB2_1-.Ltmp0, $4  }
0x9: {  	[smem:$0x7FF] =	sst s4;
	s8 =	smul.u32 $0xC80, s7;
	s9 =	sshrl.u32 s6, $0x1  }
0xa: {  	s1 =	rddreg [dreg:$0x3];
	_ =	strace $0x80000047;
	s9 =	ssub.s32 s6, s9  }
0xb: {  	s6 =	smul.u32 $0x6400, s7;
	s8 =	sadd.s32 s8, s5;
	s5 =	sadd.s32 $0x400, s5  }
0xc: {  	s7 =	sadd.s32 $0x1A00, s8;
	s8 =	smax.u32 s9, $0x1;
	s9 =	simm.s32 $0x5  }
.LBB2_8:
0xd: {  	s17 =	sadd.s32 $0x1, s17  }
0xe: {  	p0 =	sne.s32 s17, s8  }
.Ltmp1:
0xf: {  	_ = 	snop;
	(pc) =	sbr.rel @!p0 .LBB2_9-.Ltmp1, $1  }
0x10: {  	_ =	sdelay $0x3  }
.LBB2_1:
0x11: {  	s18 =	simm.s32 $0x6400  }
0x12: {  	[tilespmem:s18], [sflag:$0x5] =	stream.linear.gather [hbm4b:s5+s4], $0xA400, $0x38;
	[tilespmem:$0x18800] =	vst v63  }
0x13: {  	_ =	swait.ge [sflag:s9], $0xA400  }
0x14: {  	[sflag:s9] =	ssyncset.done $0x0  }
0x15: {  	[sflag:s9] =	ssyncadd.s32 $0xFFFF5C00  }
0x16: {  	[tilespmem:s4], [sflag:$0x5] =	stream.linear.gather [hbm4b:s7+s4], $0x6400, $0x38;
	[tilespmem:$0x18800] =	vst v63  }
0x17: {  	_ =	swait.ge [sflag:s9], $0x6400  }
0x18: {  	[sflag:s9] =	ssyncset.done $0x0  }
0x19: {  	s19 =	simm.s32 $0xA400;
	[sflag:s9] =	ssyncadd.s32 $0xFFFF9C00  }
0x1a: {  	[tilespmem:s10], [sflag:$0x1] =	stream.indirect.gather [hbm4b:s2+s16], $0x80, s4, s16, $0xb8;
	[tilespmem:$0x18800] =	vst v63  }
0x1b: {  	s20 =	simm.s32 $0x80;
	s21 =	simm.s32 $0x0;
	s22 =	simm.s32 $0x0  }
0x1c: {  	[tilespmem:s11], [sflag:$0x2] =	stream.indirect.gather [hbm4b:s2+s16], $0x80, s16, s16, $0xb8;
	[tilespmem:$0x18800] =	vst v63  }
.LBB2_2:
0x1d: {  	s23 =	smulhi.u32 $0x51EB851F, s21;
	_ =	sdelay $0x1  }
0x1e: {  	s23 =	sshrl.u32 s23, $0x6  }
0x1f: {  	s23 =	smul.u32 $0xFFFE7000, s23;
	_ =	sdelay $0x1  }
0x20: {  	s23 =	sshra.s32 s23, $0x2  }
0x21: {  	s23 =	sadd.s32 s23, s18  }
0x22: {  	v0 =	vmov s23;
	_ =	sdelay $0x1  }
0x23: {  	_ =	swait.ge [sflag:s12], $0x4000  }
0x24: {  	[sflag:s12] =	ssyncset.done $0x0  }
0x25: {  	s24 =	simm.s32 $0x0;
	[sflag:s12] =	ssyncadd.s32 $0xFFFFC000  }
0x26: {  	v1 =	vld.idx.msk [tilespmem:v0+s24+$0x50 ss:$0x1], $0xffff  }
0x27: {  	v2 =	vld.idx.msk [tilespmem:v0+s24+$0x40 ss:$0x1], $0xffff  }
0x28: {  	v3 =	vld.idx.msk [tilespmem:v0+s24+$0x60 ss:$0x1], $0xffff  }
0x29: {  	v4 =	vld.idx.msk [tilespmem:v0+s24+$0x30 ss:$0x1], $0xffff  }
0x2a: {  	v5 =	vld.idx.msk [tilespmem:v0+s24+$0x20 ss:$0x1], $0xffff  }
0x2b: {  	v6 =	vld.idx.msk [tilespmem:v0+s24+$0x10 ss:$0x1], $0xffff  }
0x2c: {  	v7 =	vld.idx.msk [tilespmem:v0+s24+$0x0 ss:$0x1], $0xffff  }
0x2d: {  	v8 =	vld.idx.msk [tilespmem:v0+s24+$0x70 ss:$0x1], $0xffff  }
0x2e: {  	[tilespmem:s24+$0x10860] =	vst.add.f32.msk $0xffff, v3  }
0x2f: {  	[tilespmem:s24+$0x10830] =	vst.add.f32.msk $0xffff, v4  }
0x30: {  	[tilespmem:s24+$0x10820] =	vst.add.f32.msk $0xffff, v5  }
0x31: {  	[tilespmem:s24+$0x10810] =	vst.add.f32.msk $0xffff, v6  }
0x32: {  	[tilespmem:s24+$0x10800] =	vst.add.f32.msk $0xffff, v7  }
0x33: {  	[tilespmem:s24+$0x10850] =	vst.add.f32.msk $0xffff, v1  }
0x34: {  	[tilespmem:s24+$0x10870] =	vst.add.f32.msk $0xffff, v8  }
0x35: {  	[tilespmem:s24+$0x10840] =	vst.add.f32.msk $0xffff, v2  }
0x36: {  	v3 =	vld.idx.msk [tilespmem:v0+s24+$0x80 ss:$0x1], $0xffff  }
0x37: {  	v1 =	vld.idx.msk [tilespmem:v0+s24+$0x90 ss:$0x1], $0xffff  }
0x38: {  	v4 =	vld.idx.msk [tilespmem:v0+s24+$0xA0 ss:$0x1], $0xffff  }
0x39: {  	v2 =	vld.idx.msk [tilespmem:v0+s24+$0xB0 ss:$0x1], $0xffff  }
0x3a: {  	v5 =	vld.idx.msk [tilespmem:v0+s24+$0xC0 ss:$0x1], $0xffff  }
0x3b: {  	v6 =	vld.idx.msk [tilespmem:v0+s24+$0xD0 ss:$0x1], $0xffff  }
0x3c: {  	v7 =	vld.idx.msk [tilespmem:v0+s24+$0xE0 ss:$0x1], $0xffff  }
0x3d: {  	s31 =	smulhi.u32 $0x51EB851F, s20;
	v8 =	vld.idx.msk [tilespmem:v0+s24+$0xF0 ss:$0x1], $0xffff  }
0x3e: {  	[tilespmem:s24+$0x108A0] =	vst.add.f32.msk $0xffff, v4  }
0x3f: {  	s23 =	sshrl.u32 s31, $0x6;
	[tilespmem:s24+$0x10880] =	vst.add.f32.msk $0xffff, v3  }
0x40: {  	s23 =	smul.u32 $0xFFFE7000, s23;
	[tilespmem:s24+$0x108C0] =	vst.add.f32.msk $0xffff, v5  }
0x41: {  	[tilespmem:s24+$0x108D0] =	vst.add.f32.msk $0xffff, v6  }
0x42: {  	s26 =	simm.s32 $0x0;
	s23 =	sshra.s32 s23, $0x2;
	[tilespmem:s24+$0x108E0] =	vst.add.f32.msk $0xffff, v7  }
0x43: {  	s28 =	simm.s32 $0x400;
	s25 =	sadd.s32 s23, s19;
	s23 =	sshll.u32 s22, $0x8;
	[tilespmem:s24+$0x108F0] =	vst.add.f32.msk $0xffff, v8  }
.LBB2_3:
0x44: {  	s29 =	sshra.s32 s28, $0x2;
	s26 =	sadd.s32 $0x2, s26;
	[tilespmem:s24+$0x10890] =	vst.add.f32.msk $0xffff, v1  }
0x45: {  	p0 =	slt.u32 s26, $0x7E;
	[tilespmem:s24+$0x108B0] =	vst.add.f32.msk $0xffff, v2;
	s24 =	smov.u32 s29  }
0x46: {  	v1 =	vld.idx.msk [tilespmem:v0+s24+$0x50 ss:$0x1], $0xffff  }
0x47: {  	v2 =	vld.idx.msk [tilespmem:v0+s24+$0x40 ss:$0x1], $0xffff  }
0x48: {  	v3 =	vld.idx.msk [tilespmem:v0+s24+$0x60 ss:$0x1], $0xffff  }
0x49: {  	v4 =	vld.idx.msk [tilespmem:v0+s24+$0x30 ss:$0x1], $0xffff  }
0x4a: {  	v5 =	vld.idx.msk [tilespmem:v0+s24+$0x20 ss:$0x1], $0xffff  }
0x4b: {  	v6 =	vld.idx.msk [tilespmem:v0+s24+$0x10 ss:$0x1], $0xffff  }
0x4c: {  	v7 =	vld.idx.msk [tilespmem:v0+s24+$0x0 ss:$0x1], $0xffff  }
0x4d: {  	v8 =	vld.idx.msk [tilespmem:v0+s24+$0x70 ss:$0x1], $0xffff  }
0x4e: {  	[tilespmem:s24+$0x10860] =	vst.add.f32.msk $0xffff, v3  }
0x4f: {  	[tilespmem:s24+$0x10830] =	vst.add.f32.msk $0xffff, v4  }
0x50: {  	[tilespmem:s24+$0x10820] =	vst.add.f32.msk $0xffff, v5  }
0x51: {  	[tilespmem:s24+$0x10810] =	vst.add.f32.msk $0xffff, v6  }
0x52: {  	[tilespmem:s24+$0x10800] =	vst.add.f32.msk $0xffff, v7  }
0x53: {  	[tilespmem:s24+$0x10850] =	vst.add.f32.msk $0xffff, v1  }
0x54: {  	[tilespmem:s24+$0x10870] =	vst.add.f32.msk $0xffff, v8  }
0x55: {  	[tilespmem:s24+$0x10840] =	vst.add.f32.msk $0xffff, v2  }
0x56: {  	v3 =	vld.idx.msk [tilespmem:v0+s24+$0x80 ss:$0x1], $0xffff  }
0x57: {  	v1 =	vld.idx.msk [tilespmem:v0+s24+$0x90 ss:$0x1], $0xffff  }
0x58: {  	v4 =	vld.idx.msk [tilespmem:v0+s24+$0xA0 ss:$0x1], $0xffff  }
0x59: {  	v2 =	vld.idx.msk [tilespmem:v0+s24+$0xB0 ss:$0x1], $0xffff  }
0x5a: {  	v5 =	vld.idx.msk [tilespmem:v0+s24+$0xC0 ss:$0x1], $0xffff  }
0x5b: {  	v6 =	vld.idx.msk [tilespmem:v0+s24+$0xD0 ss:$0x1], $0xffff  }
0x5c: {  	v7 =	vld.idx.msk [tilespmem:v0+s24+$0xE0 ss:$0x1], $0xffff  }
0x5d: {  	v8 =	vld.idx.msk [tilespmem:v0+s24+$0xF0 ss:$0x1], $0xffff  }
0x5e: {  	[tilespmem:s24+$0x108A0] =	vst.add.f32.msk $0xffff, v4  }
.Ltmp2:
0x5f: {  	[tilespmem:s24+$0x10880] =	vst.add.f32.msk $0xffff, v3;
	(pc) =	sbr.rel @p0 .LBB2_3-.Ltmp2, $4  }
0x60: {  	[tilespmem:s24+$0x108C0] =	vst.add.f32.msk $0xffff, v5  }
0x61: {  	[tilespmem:s24+$0x108D0] =	vst.add.f32.msk $0xffff, v6  }
0x62: {  	[tilespmem:s24+$0x108E0] =	vst.add.f32.msk $0xffff, v7  }
0x63: {  	s28 =	sadd.s32 $0x400, s28;
	[tilespmem:s24+$0x108F0] =	vst.add.f32.msk $0xffff, v8  }
0x64: {  	s26 =	sadd.s32 s6, s23  }
0x65: {  	[tilespmem:s24+$0x10890] =	vst.add.f32.msk $0xffff, v1;
	s26 =	sshll.u32 s26, $0x4  }
0x66: {  	[tilespmem:s24+$0x108B0] =	vst.add.f32.msk $0xffff, v2;
	p0 =	seq.s32 s22, $0x63;
	s31 =	sadd.s32 s3, s26  }
0x67: {  	[hbm4b:s31+s4] =	stream.linear.scatter [tilespmem:s10], [sflag:$0x3], $0x4000, $0x38;
	[tilespmem:$0x18800] =	vst v63  }
0x68: {  	s24 =	sshll.u32 @!p0 s22, $0x8;
	_ =	swait.ge [sflag:s13], $0x4000  }
0x69: {  	s28 =	simm.s32 @!p0 $0x10800;
	s24 =	sand.u32 @!p0 $0x3FFFFF00, s24;
	[sflag:s13] =	ssyncset.done $0x0  }
0x6a: {  	v0 =	vmov s25;
	s26 =	simm.s32 @!p0 $0x80;
	s24 =	sadd.s32 @!p0 $0x100, s24;
	[sflag:s13] =	ssyncadd.s32 $0xFFFFC000  }
0x6b: {  	[tilespmem:s28], [sflag:$0x1] =	stream.indirect.gather @!p0 [hbm4b:s2+s26], $0x80, s24, s26, $0xb8;
	[tilespmem:$0x18800] =	vst v63  }
0x6c: {  	_ =	swait.ge [sflag:s14], $0x4000  }
0x6d: {  	[sflag:s14] =	ssyncset.done $0x0  }
0x6e: {  	s24 =	simm.s32 $0x0;
	[sflag:s14] =	ssyncadd.s32 $0xFFFFC000  }
0x6f: {  	v1 =	vld.idx.msk [tilespmem:v0+s24+$0x50 ss:$0x1], $0xffff  }
0x70: {  	v2 =	vld.idx.msk [tilespmem:v0+s24+$0x40 ss:$0x1], $0xffff  }
0x71: {  	v3 =	vld.idx.msk [tilespmem:v0+s24+$0x60 ss:$0x1], $0xffff  }
0x72: {  	v4 =	vld.idx.msk [tilespmem:v0+s24+$0x30 ss:$0x1], $0xffff  }
0x73: {  	v5 =	vld.idx.msk [tilespmem:v0+s24+$0x20 ss:$0x1], $0xffff  }
0x74: {  	v6 =	vld.idx.msk [tilespmem:v0+s24+$0x10 ss:$0x1], $0xffff  }
0x75: {  	v7 =	vld.idx.msk [tilespmem:v0+s24+$0x0 ss:$0x1], $0xffff  }
0x76: {  	v8 =	vld.idx.msk [tilespmem:v0+s24+$0x70 ss:$0x1], $0xffff  }
0x77: {  	[tilespmem:s24+$0x14860] =	vst.add.f32.msk $0xffff, v3  }
0x78: {  	[tilespmem:s24+$0x14830] =	vst.add.f32.msk $0xffff, v4  }
0x79: {  	[tilespmem:s24+$0x14820] =	vst.add.f32.msk $0xffff, v5  }
0x7a: {  	[tilespmem:s24+$0x14810] =	vst.add.f32.msk $0xffff, v6  }
0x7b: {  	[tilespmem:s24+$0x14800] =	vst.add.f32.msk $0xffff, v7  }
0x7c: {  	[tilespmem:s24+$0x14850] =	vst.add.f32.msk $0xffff, v1  }
0x7d: {  	[tilespmem:s24+$0x14870] =	vst.add.f32.msk $0xffff, v8  }
0x7e: {  	[tilespmem:s24+$0x14840] =	vst.add.f32.msk $0xffff, v2  }
0x7f: {  	v3 =	vld.idx.msk [tilespmem:v0+s24+$0x80 ss:$0x1], $0xffff  }
0x80: {  	v1 =	vld.idx.msk [tilespmem:v0+s24+$0x90 ss:$0x1], $0xffff  }
0x81: {  	v4 =	vld.idx.msk [tilespmem:v0+s24+$0xA0 ss:$0x1], $0xffff  }
0x82: {  	v2 =	vld.idx.msk [tilespmem:v0+s24+$0xB0 ss:$0x1], $0xffff  }
0x83: {  	v5 =	vld.idx.msk [tilespmem:v0+s24+$0xC0 ss:$0x1], $0xffff  }
0x84: {  	v6 =	vld.idx.msk [tilespmem:v0+s24+$0xD0 ss:$0x1], $0xffff  }
0x85: {  	v7 =	vld.idx.msk [tilespmem:v0+s24+$0xE0 ss:$0x1], $0xffff  }
0x86: {  	v8 =	vld.idx.msk [tilespmem:v0+s24+$0xF0 ss:$0x1], $0xffff  }
0x87: {  	[tilespmem:s24+$0x148A0] =	vst.add.f32.msk $0xffff, v4  }
0x88: {  	[tilespmem:s24+$0x14880] =	vst.add.f32.msk $0xffff, v3  }
0x89: {  	[tilespmem:s24+$0x148C0] =	vst.add.f32.msk $0xffff, v5  }
0x8a: {  	[tilespmem:s24+$0x148D0] =	vst.add.f32.msk $0xffff, v6  }
0x8b: {  	[tilespmem:s24+$0x148E0] =	vst.add.f32.msk $0xffff, v7  }
0x8c: {  	s25 =	sor.u32 $0x80, s23;
	s26 =	simm.s32 $0x0;
	s28 =	simm.s32 $0x400;
	[tilespmem:s24+$0x148F0] =	vst.add.f32.msk $0xffff, v8  }
.LBB2_5:
0x8d: {  	s29 =	sshra.s32 s28, $0x2;
	s26 =	sadd.s32 $0x2, s26;
	[tilespmem:s24+$0x14890] =	vst.add.f32.msk $0xffff, v1  }
0x8e: {  	p1 =	slt.u32 s26, $0x7E;
	[tilespmem:s24+$0x148B0] =	vst.add.f32.msk $0xffff, v2;
	s24 =	smov.u32 s29  }
0x8f: {  	v1 =	vld.idx.msk [tilespmem:v0+s24+$0x50 ss:$0x1], $0xffff  }
0x90: {  	v2 =	vld.idx.msk [tilespmem:v0+s24+$0x40 ss:$0x1], $0xffff  }
0x91: {  	v3 =	vld.idx.msk [tilespmem:v0+s24+$0x60 ss:$0x1], $0xffff  }
0x92: {  	v4 =	vld.idx.msk [tilespmem:v0+s24+$0x30 ss:$0x1], $0xffff  }
0x93: {  	v5 =	vld.idx.msk [tilespmem:v0+s24+$0x20 ss:$0x1], $0xffff  }
0x94: {  	v6 =	vld.idx.msk [tilespmem:v0+s24+$0x10 ss:$0x1], $0xffff  }
0x95: {  	v7 =	vld.idx.msk [tilespmem:v0+s24+$0x0 ss:$0x1], $0xffff  }
0x96: {  	v8 =	vld.idx.msk [tilespmem:v0+s24+$0x70 ss:$0x1], $0xffff  }
0x97: {  	[tilespmem:s24+$0x14860] =	vst.add.f32.msk $0xffff, v3  }
0x98: {  	[tilespmem:s24+$0x14830] =	vst.add.f32.msk $0xffff, v4  }
0x99: {  	[tilespmem:s24+$0x14820] =	vst.add.f32.msk $0xffff, v5  }
0x9a: {  	[tilespmem:s24+$0x14810] =	vst.add.f32.msk $0xffff, v6  }
0x9b: {  	[tilespmem:s24+$0x14800] =	vst.add.f32.msk $0xffff, v7  }
0x9c: {  	[tilespmem:s24+$0x14850] =	vst.add.f32.msk $0xffff, v1  }
0x9d: {  	[tilespmem:s24+$0x14870] =	vst.add.f32.msk $0xffff, v8  }
0x9e: {  	[tilespmem:s24+$0x14840] =	vst.add.f32.msk $0xffff, v2  }
0x9f: {  	v3 =	vld.idx.msk [tilespmem:v0+s24+$0x80 ss:$0x1], $0xffff  }
0xa0: {  	v1 =	vld.idx.msk [tilespmem:v0+s24+$0x90 ss:$0x1], $0xffff  }
0xa1: {  	v4 =	vld.idx.msk [tilespmem:v0+s24+$0xA0 ss:$0x1], $0xffff  }
0xa2: {  	v2 =	vld.idx.msk [tilespmem:v0+s24+$0xB0 ss:$0x1], $0xffff  }
0xa3: {  	v5 =	vld.idx.msk [tilespmem:v0+s24+$0xC0 ss:$0x1], $0xffff  }
0xa4: {  	v6 =	vld.idx.msk [tilespmem:v0+s24+$0xD0 ss:$0x1], $0xffff  }
0xa5: {  	v7 =	vld.idx.msk [tilespmem:v0+s24+$0xE0 ss:$0x1], $0xffff  }
0xa6: {  	v8 =	vld.idx.msk [tilespmem:v0+s24+$0xF0 ss:$0x1], $0xffff  }
0xa7: {  	[tilespmem:s24+$0x148A0] =	vst.add.f32.msk $0xffff, v4  }
.Ltmp3:
0xa8: {  	[tilespmem:s24+$0x14880] =	vst.add.f32.msk $0xffff, v3;
	(pc) =	sbr.rel @p1 .LBB2_5-.Ltmp3, $4  }
0xa9: {  	[tilespmem:s24+$0x148C0] =	vst.add.f32.msk $0xffff, v5  }
0xaa: {  	[tilespmem:s24+$0x148D0] =	vst.add.f32.msk $0xffff, v6  }
0xab: {  	[tilespmem:s24+$0x148E0] =	vst.add.f32.msk $0xffff, v7  }
0xac: {  	s28 =	sadd.s32 $0x400, s28;
	[tilespmem:s24+$0x148F0] =	vst.add.f32.msk $0xffff, v8  }
0xad: {  	s25 =	sadd.s32 s6, s25  }
0xae: {  	[tilespmem:s24+$0x14890] =	vst.add.f32.msk $0xffff, v1;
	s25 =	sshll.u32 s25, $0x4  }
.Ltmp4:
0xaf: {  	[tilespmem:s24+$0x148B0] =	vst.add.f32.msk $0xffff, v2;
	s31 =	sadd.s32 s3, s25;
	(pc) =	sbr.rel @p0 .LBB2_8-.Ltmp4, $4  }
0xb0: {  	[hbm4b:s31+s4] =	stream.linear.scatter [tilespmem:s11], [sflag:$0x4], $0x4000, $0x38;
	[tilespmem:$0x18800] =	vst v63  }
0xb1: {  	_ =	swait.ge [sflag:s15], $0x4000  }
0xb2: {  	[sflag:s15] =	ssyncset.done $0x0  }
0xb3: {  	[sflag:s15] =	ssyncadd.s32 $0xFFFFC000  }
.Ltmp5:
0xb4: {  	(pc) =	sbr.rel .LBB2_2-.Ltmp5, $4  }
0xb5: {  	s23 =	sand.u32 $0x3FFFFF00, s23  }
0xb6: {  	s22 =	sadd.s32 $0x1, s22;
	s18 =	sadd.s32 $0x8000, s18;
	s21 =	sadd.s32 $0x100, s21  }
0xb7: {  	s19 =	sadd.s32 $0x8000, s19;
	s20 =	sadd.s32 $0x100, s20;
	s23 =	sadd.s32 $0x180, s23  }
0xb8: {  	[tilespmem:s11], [sflag:$0x2] =	stream.indirect.gather [hbm4b:s2+s16], $0x80, s23, s16, $0xb8;
	[tilespmem:$0x18800] =	vst v63  }
.LBB2_9:
0xb9: {  	_ =	sfence.sel $0x180000  }
0xba: {  	[bflag:$0x0] =	sbarrier.arrive $0xFFFF  }
0xbb: {  	p0 =	sne.s32 s0, $0x0;
	_ =	strace $0x90000047  }
0xbc: {  	s0 =	sadd.s32 @!p0 $0x100000, s1;
	[bflag:$0x2] =	sbarrier.arrive $0xFFFF  }
0xbd: {  	[sflag:s0] =	ssyncadd.tile.s32 @!p0 $0x1;
	_ =	shalt  }
.Lfunc_end2:
_tile_overlayer_lowered:
.L_overlay_start_2:
0xbe: {  	(tag) =	ssettag $0x2  }
0xbf: {  	s0 =	rddreg [dreg:$0x0];
	s2 =	stileid.u32  }
0xc0: {  	s1 =	rddreg [dreg:$0x1];
	p0 =	sne.s32 s2, $0x0  }
0xc1: {  	s3 =	rddreg [dreg:$0x2];
	[bflag:$0x3] =	sbarrier.arrive $0xFFFF;
	s2 =	simm.s32 @!p0 $0x1C05  }
0xc2: {  	[timem:s3], [sflag:s2] =	dma.local @!p0 [hbm:s0], s1  }
0xc3: {  	s0 =	simm.s32 @!p0 $0x5  }
0xc4: {  	_ =	swait.ge @!p0 [sflag:s0], s1  }
0xc5: {  	s1 =	ssub.s32 @!p0 $0x0, s1;
	[sflag:s0] =	ssyncset.done @!p0 $0x0  }
0xc6: {  	[sflag:s0] =	ssyncadd.s32 @!p0 s1  }
0xc7: {  	[bflag:$0x3] =	sbarrier.arrive $0xFFFF  }
0xc8: {  	_ =	shalt  }

</sc_bundles>
